<compile_context>
chip_gen: v7x
topology: tpu7x:2x2x1
jax: 0.10.2.dev20260603
libtpu: 0.0.44.dev20260713+nightly
codegen_flags: <defaults>
</compile_context>

<pallas_src>
import functools

import jax
import jax.numpy as jnp
from jax import lax
from jax.experimental import pallas as pl
from jax.experimental.pallas import tpu as pltpu
from jax.experimental.pallas import tpu_sc as plsc

_NUM_CORES = 2
_NUM_SUBCORES = 16
_NUM_WORKERS = _NUM_CORES * _NUM_SUBCORES


@functools.lru_cache(maxsize=None)
def _make_gather(V, D, B, L, nb=64, nbuf=3):
    N = B * L
    n_per_w = N // _NUM_WORKERS
    n_units = n_per_w // nb
    assert N % _NUM_WORKERS == 0 and n_per_w % nb == 0
    assert B % nb == 0 and nb % 8 == 0 and n_units > nbuf

    mesh = plsc.VectorSubcoreMesh(
        core_axis_name="c", subcore_axis_name="s",
        num_cores=_NUM_CORES, num_subcores=_NUM_SUBCORES)

    @functools.partial(
        pl.kernel,
        out_type=jax.ShapeDtypeStruct((L, B, D), jnp.float32),
        mesh=mesh,
        scratch_types=[
            pltpu.VMEM((n_per_w,), jnp.int32),
            [pltpu.VMEM((nb, D), jnp.float32) for _ in range(nbuf)],
            [pltpu.SemaphoreType.DMA for _ in range(nbuf)],
            [pltpu.SemaphoreType.DMA for _ in range(nbuf)],
        ],
    )
    def gather_kernel(idx_hbm, table_hbm, out_hbm, idx_v, rows, gsem, wsem):
        wid = lax.axis_index("s") * _NUM_CORES + lax.axis_index("c")
        base = wid * n_per_w
        pltpu.sync_copy(idx_hbm.at[pl.ds(base, n_per_w)], idx_v)

        def fire_gather(u, b):
            pltpu.async_copy(
                table_hbm.at[idx_v.at[pl.ds(u * nb, nb)]], rows[b], gsem[b])

        def wait_gather(u, b):
            pltpu.make_async_copy(
                table_hbm.at[idx_v.at[pl.ds(u * nb, nb)]], rows[b],
                gsem[b]).wait()

        def out_slice(u):
            flat = base + u * nb
            return out_hbm.at[flat // B, pl.ds(lax.rem(flat, B), nb)]

        def fire_write(u, b):
            pltpu.async_copy(rows[b], out_slice(u), wsem[b])

        def wait_write(u, b):
            pltpu.make_async_copy(rows[b], out_slice(u), wsem[b]).wait()

        for b in range(nbuf):
            fire_gather(b, b)

        n_main_groups = n_units // nbuf - 1
        def body(i, carry):
            uu = i * nbuf
            for b in range(nbuf):
                u = uu + b
                wait_gather(u, b)
                fire_write(u, b)
                wait_write(u, b)
                fire_gather(u + nbuf, b)
            return carry

        lax.fori_loop(0, n_main_groups, body, 0)

        for u in range(n_main_groups * nbuf, n_units):
            b = u % nbuf
            wait_gather(u, b)
            fire_write(u, b)
            wait_write(u, b)
            if u + nbuf < n_units:
                fire_gather(u + nbuf, b)

    return gather_kernel


def kernel(x, table):
    B, L = x.shape
    V, D = table.shape
    xt = x.T.reshape(B * L).astype(jnp.int32)
    out2 = _make_gather(V, D, B, L)(xt, table)
    return out2.transpose(1, 0, 2)

# --- scband reference (transcript-rebuilt; emitter-appended) ---
"""Pipeline reference for scband-encoder-29042568856217 (READ-ONLY COPY).

The authoritative reference and input builder live on the scoring server;
editing this copy changes nothing except your own understanding.
"""

import jax, jax.numpy as jnp
import numpy as np

VOCAB = 100000
EMB_DIM = 512  # module hardcodes output_dim=512
D_MODEL = 256
MAX_POS = 50
BATCH = 1024
SEQ = 50


def positional_encoding(position, d_model):
    pos = np.arange(position)[:, np.newaxis].astype(np.float32)
    i = np.arange(d_model)[np.newaxis, :].astype(np.float32)
    angle_rates = 1.0 / np.power(10000.0, (2.0 * np.floor(i / 2.0)) / np.float32(d_model))
    angle_rads = pos * angle_rates
    angle_rads[:, 0::2] = np.sin(angle_rads[:, 0::2])
    angle_rads[:, 1::2] = np.cos(angle_rads[:, 1::2])
    return jnp.asarray(angle_rads[np.newaxis, ...], dtype=jnp.float32)


def setup_inputs(seed: int = 0) -> dict:
    key = jax.random.key(seed)
    k_x, k_tab = jax.random.split(key, 2)
    x = jax.random.randint(k_x, (BATCH, SEQ), 0, VOCAB, dtype=jnp.int64 if jax.config.jax_enable_x64 else jnp.int32)
    table = jax.random.normal(k_tab, (VOCAB, EMB_DIM), dtype=jnp.float32) * 0.02
    return {"x": x, "table": table}


def reference(x, table):
    # Faithful translation of Encoder.call: embedding lookup of token ids.
    # pos_mask is computed in __init__ (positional_encoding) but call() only
    # performs the embedding lookup and reads static shapes, so the forward
    # output is the embedding matrix.
    embedding_matrix = jnp.take(table, x, axis=0)  # [B, L, 512]
    return embedding_matrix

if __name__ == "__main__":
    import jax
    _d = setup_inputs()
    print(jax.jit(kernel)(*tuple(_d.values())))

</pallas_src>

<mosaic_0001>
#map = affine_map<(d0, d1) -> (0)>
#map1 = affine_map<(d0, d1) -> (0, 0)>
#map2 = affine_map<(d0, d1) -> (0, 0, 0)>
module attributes {stable_mosaic.version = 14 : i64} {
  func.func @gather_kernel(%arg0: i32, %arg1: i32, %arg2: memref<51200xi32, #tpu.memory_space<hbm>>, %arg3: memref<100000x512xf32, #tpu.memory_space<hbm>>, %arg4: memref<50x1024x512xf32, #tpu.memory_space<hbm>>, %arg5: memref<1600xi32, #tpu.memory_space<vmem>>, %arg6: memref<64x512xf32, #tpu.memory_space<vmem>>, %arg7: memref<64x512xf32, #tpu.memory_space<vmem>>, %arg8: memref<64x512xf32, #tpu.memory_space<vmem>>, %arg9: memref<!tpu.dma_semaphore, #tpu.memory_space<semaphore_mem>>, %arg10: memref<!tpu.dma_semaphore, #tpu.memory_space<semaphore_mem>>, %arg11: memref<!tpu.dma_semaphore, #tpu.memory_space<semaphore_mem>>, %arg12: memref<!tpu.dma_semaphore, #tpu.memory_space<semaphore_mem>>, %arg13: memref<!tpu.dma_semaphore, #tpu.memory_space<semaphore_mem>>, %arg14: memref<!tpu.dma_semaphore, #tpu.memory_space<semaphore_mem>>) attributes {dimension_semantics = [#tpu.dimension_semantics<core_parallel>, #tpu.dimension_semantics<subcore_parallel>], iteration_bounds = array<i64: 2, 16>, scalar_prefetch = 0 : i64, scratch_operands = 10 : i64, tpu.core_type = #tpu.core_type<sc_vector_subcore>, window_params = [{transform_indices = #map}, {transform_indices = #map1}, {transform_indices = #map2}]} {
    %mul3A = arith.constant 2 : i32
    %mul3A_0 = arith.muli %arg1, %mul3A : i32
    %add3A = arith.addi %mul3A_0, %arg0 : i32
    %mul3A_1 = arith.constant 1600 : i32
    %mul3A_2 = arith.muli %add3A, %mul3A_1 : i32
    "tpu.region"() ({
      %run_scoped3A = tpu.sem_alloc : memref<!tpu.dma_semaphore, #tpu.memory_space<semaphore_mem>>
      %dma_start3A_310 = tpu.memref_slice %arg2[%mul3A_2] : memref<51200xi32, #tpu.memory_space<hbm>> -> memref<1600xi32, #tpu.memory_space<hbm>>
      %dma_start3A_311 = tpu.memref_slice %arg2[%mul3A_2] : memref<51200xi32, #tpu.memory_space<hbm>> -> memref<1600xi32, #tpu.memory_space<hbm>>
      tpu.enqueue_dma source(%dma_start3A_311 : memref<1600xi32, #tpu.memory_space<hbm>>) target(%arg5 : memref<1600xi32, #tpu.memory_space<vmem>>) target_semaphore(%run_scoped3A : memref<!tpu.dma_semaphore, #tpu.memory_space<semaphore_mem>>)
      %dma_wait3A_312 = tpu.memref_slice %arg2[%mul3A_2] : memref<51200xi32, #tpu.memory_space<hbm>> -> memref<1600xi32, #tpu.memory_space<hbm>>
      %dma_wait3A_313 = tpu.memref_slice %arg2[%mul3A_2] : memref<51200xi32, #tpu.memory_space<hbm>> -> memref<1600xi32, #tpu.memory_space<hbm>>
      tpu.wait_dma2 semaphore(%run_scoped3A : memref<!tpu.dma_semaphore, #tpu.memory_space<semaphore_mem>>) src(%dma_wait3A_313 : memref<1600xi32, #tpu.memory_space<hbm>>) dst(%arg5 : memref<1600xi32, #tpu.memory_space<vmem>>)
      tpu.yield
    }) : () -> ()
    %dma_start3A = arith.constant 0 : i32
    %dma_start3A_3 = tpu.memref_slice %arg5[%dma_start3A] : memref<1600xi32, #tpu.memory_space<vmem>> -> memref<64xi32, #tpu.memory_space<vmem>>
    %dma_start3A_4 = arith.constant 0 : i32
    %dma_start3A_5 = arith.constant 0 : i32
    %dma_start3A_6 = tpu.memref_slice %arg3[%dma_start3A_4, %dma_start3A_5] : memref<100000x512xf32, #tpu.memory_space<hbm>> -> memref<100000x512xf32, #tpu.memory_space<hbm>>
    tpu.enqueue_indirect_dma source(%dma_start3A_6 : memref<100000x512xf32, #tpu.memory_space<hbm>>) target(%arg6 : memref<64x512xf32, #tpu.memory_space<vmem>>) offsets(%dma_start3A_3 : memref<64xi32, #tpu.memory_space<vmem>>) semaphore(%arg9 : memref<!tpu.dma_semaphore, #tpu.memory_space<semaphore_mem>>)
    %dma_start3A_7 = arith.constant 64 : i32
    %dma_start3A_8 = tpu.memref_slice %arg5[%dma_start3A_7] : memref<1600xi32, #tpu.memory_space<vmem>> -> memref<64xi32, #tpu.memory_space<vmem>>
    %dma_start3A_9 = arith.constant 0 : i32
    %dma_start3A_10 = arith.constant 0 : i32
    %dma_start3A_11 = tpu.memref_slice %arg3[%dma_start3A_9, %dma_start3A_10] : memref<100000x512xf32, #tpu.memory_space<hbm>> -> memref<100000x512xf32, #tpu.memory_space<hbm>>
    tpu.enqueue_indirect_dma source(%dma_start3A_11 : memref<100000x512xf32, #tpu.memory_space<hbm>>) target(%arg7 : memref<64x512xf32, #tpu.memory_space<vmem>>) offsets(%dma_start3A_8 : memref<64xi32, #tpu.memory_space<vmem>>) semaphore(%arg10 : memref<!tpu.dma_semaphore, #tpu.memory_space<semaphore_mem>>)
    %dma_start3A_12 = arith.constant 128 : i32
    %dma_start3A_13 = tpu.memref_slice %arg5[%dma_start3A_12] : memref<1600xi32, #tpu.memory_space<vmem>> -> memref<64xi32, #tpu.memory_space<vmem>>
    %dma_start3A_14 = arith.constant 0 : i32
    %dma_start3A_15 = arith.constant 0 : i32
    %dma_start3A_16 = tpu.memref_slice %arg3[%dma_start3A_14, %dma_start3A_15] : memref<100000x512xf32, #tpu.memory_space<hbm>> -> memref<100000x512xf32, #tpu.memory_space<hbm>>
    tpu.enqueue_indirect_dma source(%dma_start3A_16 : memref<100000x512xf32, #tpu.memory_space<hbm>>) target(%arg8 : memref<64x512xf32, #tpu.memory_space<vmem>>) offsets(%dma_start3A_13 : memref<64xi32, #tpu.memory_space<vmem>>) semaphore(%arg11 : memref<!tpu.dma_semaphore, #tpu.memory_space<semaphore_mem>>)
    %scan3A = arith.constant 0 : i32
    %scan3A_17 = arith.constant 0 : i32
    %scan3A_18 = arith.constant 7 : i32
    %scan3A_19 = arith.addi %scan3A_17, %scan3A_18 : i32
    %scan3A_20 = arith.constant 1 : i32
    scf.for %scan3A_310 = %scan3A_17 to %scan3A_19 step %scan3A_20  : i32 {
      %mul3A_311 = arith.constant 3 : i32
      %mul3A_312 = arith.muli %scan3A_310, %mul3A_311 : i32
      %add3A_313 = arith.constant 0 : i32
      %add3A_314 = arith.addi %mul3A_312, %add3A_313 : i32
      %mul3A_315 = arith.constant 64 : i32
      %mul3A_316 = arith.muli %add3A_314, %mul3A_315 : i32
      %dma_wait3A_317 = tpu.memref_slice %arg5[%mul3A_316] : memref<1600xi32, #tpu.memory_space<vmem>> -> memref<64xi32, #tpu.memory_space<vmem>>
      %dma_wait3A_318 = arith.constant 0 : i32
      %dma_wait3A_319 = arith.constant 0 : i32
      %dma_wait3A_320 = tpu.memref_slice %arg3[%dma_wait3A_318, %dma_wait3A_319] : memref<100000x512xf32, #tpu.memory_space<hbm>> -> memref<100000x512xf32, #tpu.memory_space<hbm>>
      tpu.wait_indirect_dma semaphore(%arg9 : memref<!tpu.dma_semaphore, #tpu.memory_space<semaphore_mem>>) src(%dma_wait3A_320 : memref<100000x512xf32, #tpu.memory_space<hbm>>) dst(%arg6 : memref<64x512xf32, #tpu.memory_space<vmem>>)
      %mul3A_321 = arith.constant 64 : i32
      %mul3A_322 = arith.muli %add3A_314, %mul3A_321 : i32
      %add3A_323 = arith.addi %mul3A_2, %mul3A_322 : i32
      %jit3A_324 = arith.constant 1024 : i32
      %div3A_325 = arith.divsi %add3A_323, %jit3A_324 : i32
      %sign3A_326 = arith.constant 0 : i32
      %sign3A_327 = arith.cmpi sgt, %add3A_323, %sign3A_326 : i32
      %sign3A_328 = arith.extui %sign3A_327 : i1 to i32
      %sign3A_329 = arith.constant 0 : i32
      %sign3A_330 = arith.cmpi slt, %add3A_323, %sign3A_329 : i32
      %sign3A_331 = arith.extui %sign3A_330 : i1 to i32
      %sign3A_332 = arith.subi %sign3A_328, %sign3A_331 : i32
      %sign3A_333 = arith.constant 0 : i32
      %sign3A_334 = arith.cmpi sgt, %jit3A_324, %sign3A_333 : i32
      %sign3A_335 = arith.extui %sign3A_334 : i1 to i32
      %sign3A_336 = arith.constant 0 : i32
      %sign3A_337 = arith.cmpi slt, %jit3A_324, %sign3A_336 : i32
      %sign3A_338 = arith.extui %sign3A_337 : i1 to i32
      %sign3A_339 = arith.subi %sign3A_335, %sign3A_338 : i32
      %ne3A_340 = arith.cmpi ne, %sign3A_332, %sign3A_339 : i32
      %rem3A_341 = arith.remsi %add3A_323, %jit3A_324 : i32
      %ne3A_342 = arith.constant 0 : i32
      %ne3A_343 = arith.cmpi ne, %rem3A_341, %ne3A_342 : i32
      %and3A_344 = arith.andi %ne3A_340, %ne3A_343 : i1
      %sub3A_345 = arith.constant 1 : i32
      %sub3A_346 = arith.subi %div3A_325, %sub3A_345 : i32
      %select_n3A_347 = arith.select %and3A_344, %sub3A_346, %div3A_325 : i32
      %rem3A_348 = arith.constant 1024 : i32
      %rem3A_349 = arith.remsi %add3A_323, %rem3A_348 : i32
      %dma_start3A_350 = arith.constant 0 : i32
      %dma_start3A_351 = tpu.memref_slice %arg4[%select_n3A_347, %rem3A_349, %dma_start3A_350] : memref<50x1024x512xf32, #tpu.memory_space<hbm>> -> memref<1x64x512xf32, #tpu.memory_space<hbm>>
      %dma_start3A_352 = tpu.memref_squeeze %dma_start3A_351 : memref<1x64x512xf32, #tpu.memory_space<hbm>> -> memref<64x512xf32, #tpu.memory_space<hbm>>
      %dma_start3A_353 = arith.constant 0 : i32
      %dma_start3A_354 = tpu.memref_slice %arg4[%select_n3A_347, %rem3A_349, %dma_start3A_353] : memref<50x1024x512xf32, #tpu.memory_space<hbm>> -> memref<1x64x512xf32, #tpu.memory_space<hbm>>
      %dma_start3A_355 = tpu.memref_squeeze %dma_start3A_354 : memref<1x64x512xf32, #tpu.memory_space<hbm>> -> memref<64x512xf32, #tpu.memory_space<hbm>>
      tpu.enqueue_dma source(%arg6 : memref<64x512xf32, #tpu.memory_space<vmem>>) target(%dma_start3A_355 : memref<64x512xf32, #tpu.memory_space<hbm>>) target_semaphore(%arg12 : memref<!tpu.dma_semaphore, #tpu.memory_space<semaphore_mem>>)
      %mul3A_356 = arith.constant 64 : i32
      %mul3A_357 = arith.muli %add3A_314, %mul3A_356 : i32
      %add3A_358 = arith.addi %mul3A_2, %mul3A_357 : i32
      %jit3A_359 = arith.constant 1024 : i32
      %div3A_360 = arith.divsi %add3A_358, %jit3A_359 : i32
      %sign3A_361 = arith.constant 0 : i32
      %sign3A_362 = arith.cmpi sgt, %add3A_358, %sign3A_361 : i32
      %sign3A_363 = arith.extui %sign3A_362 : i1 to i32
      %sign3A_364 = arith.constant 0 : i32
      %sign3A_365 = arith.cmpi slt, %add3A_358, %sign3A_364 : i32
      %sign3A_366 = arith.extui %sign3A_365 : i1 to i32
      %sign3A_367 = arith.subi %sign3A_363, %sign3A_366 : i32
      %sign3A_368 = arith.constant 0 : i32
      %sign3A_369 = arith.cmpi sgt, %jit3A_359, %sign3A_368 : i32
      %sign3A_370 = arith.extui %sign3A_369 : i1 to i32
      %sign3A_371 = arith.constant 0 : i32
      %sign3A_372 = arith.cmpi slt, %jit3A_359, %sign3A_371 : i32
      %sign3A_373 = arith.extui %sign3A_372 : i1 to i32
      %sign3A_374 = arith.subi %sign3A_370, %sign3A_373 : i32
      %ne3A_375 = arith.cmpi ne, %sign3A_367, %sign3A_374 : i32
      %rem3A_376 = arith.remsi %add3A_358, %jit3A_359 : i32
      %ne3A_377 = arith.constant 0 : i32
      %ne3A_378 = arith.cmpi ne, %rem3A_376, %ne3A_377 : i32
      %and3A_379 = arith.andi %ne3A_375, %ne3A_378 : i1
      %sub3A_380 = arith.constant 1 : i32
      %sub3A_381 = arith.subi %div3A_360, %sub3A_380 : i32
      %select_n3A_382 = arith.select %and3A_379, %sub3A_381, %div3A_360 : i32
      %rem3A_383 = arith.constant 1024 : i32
      %rem3A_384 = arith.remsi %add3A_358, %rem3A_383 : i32
      %dma_wait3A_385 = arith.constant 0 : i32
      %dma_wait3A_386 = tpu.memref_slice %arg4[%select_n3A_382, %rem3A_384, %dma_wait3A_385] : memref<50x1024x512xf32, #tpu.memory_space<hbm>> -> memref<1x64x512xf32, #tpu.memory_space<hbm>>
      %dma_wait3A_387 = tpu.memref_squeeze %dma_wait3A_386 : memref<1x64x512xf32, #tpu.memory_space<hbm>> -> memref<64x512xf32, #tpu.memory_space<hbm>>
      %dma_wait3A_388 = arith.constant 0 : i32
      %dma_wait3A_389 = tpu.memref_slice %arg4[%select_n3A_382, %rem3A_384, %dma_wait3A_388] : memref<50x1024x512xf32, #tpu.memory_space<hbm>> -> memref<1x64x512xf32, #tpu.memory_space<hbm>>
      %dma_wait3A_390 = tpu.memref_squeeze %dma_wait3A_389 : memref<1x64x512xf32, #tpu.memory_space<hbm>> -> memref<64x512xf32, #tpu.memory_space<hbm>>
      tpu.wait_dma2 semaphore(%arg12 : memref<!tpu.dma_semaphore, #tpu.memory_space<semaphore_mem>>) src(%arg6 : memref<64x512xf32, #tpu.memory_space<vmem>>) dst(%dma_wait3A_390 : memref<64x512xf32, #tpu.memory_space<hbm>>)
      %add3A_391 = arith.constant 3 : i32
      %add3A_392 = arith.addi %add3A_314, %add3A_391 : i32
      %mul3A_393 = arith.constant 64 : i32
      %mul3A_394 = arith.muli %add3A_392, %mul3A_393 : i32
      %dma_start3A_395 = tpu.memref_slice %arg5[%mul3A_394] : memref<1600xi32, #tpu.memory_space<vmem>> -> memref<64xi32, #tpu.memory_space<vmem>>
      %dma_start3A_396 = arith.constant 0 : i32
      %dma_start3A_397 = arith.constant 0 : i32
      %dma_start3A_398 = tpu.memref_slice %arg3[%dma_start3A_396, %dma_start3A_397] : memref<100000x512xf32, #tpu.memory_space<hbm>> -> memref<100000x512xf32, #tpu.memory_space<hbm>>
      tpu.enqueue_indirect_dma source(%dma_start3A_398 : memref<100000x512xf32, #tpu.memory_space<hbm>>) target(%arg6 : memref<64x512xf32, #tpu.memory_space<vmem>>) offsets(%dma_start3A_395 : memref<64xi32, #tpu.memory_space<vmem>>) semaphore(%arg9 : memref<!tpu.dma_semaphore, #tpu.memory_space<semaphore_mem>>)
      %add3A_399 = arith.constant 1 : i32
      %add3A_400 = arith.addi %mul3A_312, %add3A_399 : i32
      %mul3A_401 = arith.constant 64 : i32
      %mul3A_402 = arith.muli %add3A_400, %mul3A_401 : i32
      %dma_wait3A_403 = tpu.memref_slice %arg5[%mul3A_402] : memref<1600xi32, #tpu.memory_space<vmem>> -> memref<64xi32, #tpu.memory_space<vmem>>
      %dma_wait3A_404 = arith.constant 0 : i32
      %dma_wait3A_405 = arith.constant 0 : i32
      %dma_wait3A_406 = tpu.memref_slice %arg3[%dma_wait3A_404, %dma_wait3A_405] : memref<100000x512xf32, #tpu.memory_space<hbm>> -> memref<100000x512xf32, #tpu.memory_space<hbm>>
      tpu.wait_indirect_dma semaphore(%arg10 : memref<!tpu.dma_semaphore, #tpu.memory_space<semaphore_mem>>) src(%dma_wait3A_406 : memref<100000x512xf32, #tpu.memory_space<hbm>>) dst(%arg7 : memref<64x512xf32, #tpu.memory_space<vmem>>)
      %mul3A_407 = arith.constant 64 : i32
      %mul3A_408 = arith.muli %add3A_400, %mul3A_407 : i32
      %add3A_409 = arith.addi %mul3A_2, %mul3A_408 : i32
      %jit3A_410 = arith.constant 1024 : i32
      %div3A_411 = arith.divsi %add3A_409, %jit3A_410 : i32
      %sign3A_412 = arith.constant 0 : i32
      %sign3A_413 = arith.cmpi sgt, %add3A_409, %sign3A_412 : i32
      %sign3A_414 = arith.extui %sign3A_413 : i1 to i32
      %sign3A_415 = arith.constant 0 : i32
      %sign3A_416 = arith.cmpi slt, %add3A_409, %sign3A_415 : i32
      %sign3A_417 = arith.extui %sign3A_416 : i1 to i32
      %sign3A_418 = arith.subi %sign3A_414, %sign3A_417 : i32
      %sign3A_419 = arith.constant 0 : i32
      %sign3A_420 = arith.cmpi sgt, %jit3A_410, %sign3A_419 : i32
      %sign3A_421 = arith.extui %sign3A_420 : i1 to i32
      %sign3A_422 = arith.constant 0 : i32
      %sign3A_423 = arith.cmpi slt, %jit3A_410, %sign3A_422 : i32
      %sign3A_424 = arith.extui %sign3A_423 : i1 to i32
      %sign3A_425 = arith.subi %sign3A_421, %sign3A_424 : i32
      %ne3A_426 = arith.cmpi ne, %sign3A_418, %sign3A_425 : i32
      %rem3A_427 = arith.remsi %add3A_409, %jit3A_410 : i32
      %ne3A_428 = arith.constant 0 : i32
      %ne3A_429 = arith.cmpi ne, %rem3A_427, %ne3A_428 : i32
      %and3A_430 = arith.andi %ne3A_426, %ne3A_429 : i1
      %sub3A_431 = arith.constant 1 : i32
      %sub3A_432 = arith.subi %div3A_411, %sub3A_431 : i32
      %select_n3A_433 = arith.select %and3A_430, %sub3A_432, %div3A_411 : i32
      %rem3A_434 = arith.constant 1024 : i32
      %rem3A_435 = arith.remsi %add3A_409, %rem3A_434 : i32
      %dma_start3A_436 = arith.constant 0 : i32
      %dma_start3A_437 = tpu.memref_slice %arg4[%select_n3A_433, %rem3A_435, %dma_start3A_436] : memref<50x1024x512xf32, #tpu.memory_space<hbm>> -> memref<1x64x512xf32, #tpu.memory_space<hbm>>
      %dma_start3A_438 = tpu.memref_squeeze %dma_start3A_437 : memref<1x64x512xf32, #tpu.memory_space<hbm>> -> memref<64x512xf32, #tpu.memory_space<hbm>>
      %dma_start3A_439 = arith.constant 0 : i32
      %dma_start3A_440 = tpu.memref_slice %arg4[%select_n3A_433, %rem3A_435, %dma_start3A_439] : memref<50x1024x512xf32, #tpu.memory_space<hbm>> -> memref<1x64x512xf32, #tpu.memory_space<hbm>>
      %dma_start3A_441 = tpu.memref_squeeze %dma_start3A_440 : memref<1x64x512xf32, #tpu.memory_space<hbm>> -> memref<64x512xf32, #tpu.memory_space<hbm>>
      tpu.enqueue_dma source(%arg7 : memref<64x512xf32, #tpu.memory_space<vmem>>) target(%dma_start3A_441 : memref<64x512xf32, #tpu.memory_space<hbm>>) target_semaphore(%arg13 : memref<!tpu.dma_semaphore, #tpu.memory_space<semaphore_mem>>)
      %mul3A_442 = arith.constant 64 : i32
      %mul3A_443 = arith.muli %add3A_400, %mul3A_442 : i32
      %add3A_444 = arith.addi %mul3A_2, %mul3A_443 : i32
      %jit3A_445 = arith.constant 1024 : i32
      %div3A_446 = arith.divsi %add3A_444, %jit3A_445 : i32
      %sign3A_447 = arith.constant 0 : i32
      %sign3A_448 = arith.cmpi sgt, %add3A_444, %sign3A_447 : i32
      %sign3A_449 = arith.extui %sign3A_448 : i1 to i32
      %sign3A_450 = arith.constant 0 : i32
      %sign3A_451 = arith.cmpi slt, %add3A_444, %sign3A_450 : i32
      %sign3A_452 = arith.extui %sign3A_451 : i1 to i32
      %sign3A_453 = arith.subi %sign3A_449, %sign3A_452 : i32
      %sign3A_454 = arith.constant 0 : i32
      %sign3A_455 = arith.cmpi sgt, %jit3A_445, %sign3A_454 : i32
      %sign3A_456 = arith.extui %sign3A_455 : i1 to i32
      %sign3A_457 = arith.constant 0 : i32
      %sign3A_458 = arith.cmpi slt, %jit3A_445, %sign3A_457 : i32
      %sign3A_459 = arith.extui %sign3A_458 : i1 to i32
      %sign3A_460 = arith.subi %sign3A_456, %sign3A_459 : i32
      %ne3A_461 = arith.cmpi ne, %sign3A_453, %sign3A_460 : i32
      %rem3A_462 = arith.remsi %add3A_444, %jit3A_445 : i32
      %ne3A_463 = arith.constant 0 : i32
      %ne3A_464 = arith.cmpi ne, %rem3A_462, %ne3A_463 : i32
      %and3A_465 = arith.andi %ne3A_461, %ne3A_464 : i1
      %sub3A_466 = arith.constant 1 : i32
      %sub3A_467 = arith.subi %div3A_446, %sub3A_466 : i32
      %select_n3A_468 = arith.select %and3A_465, %sub3A_467, %div3A_446 : i32
      %rem3A_469 = arith.constant 1024 : i32
      %rem3A_470 = arith.remsi %add3A_444, %rem3A_469 : i32
      %dma_wait3A_471 = arith.constant 0 : i32
      %dma_wait3A_472 = tpu.memref_slice %arg4[%select_n3A_468, %rem3A_470, %dma_wait3A_471] : memref<50x1024x512xf32, #tpu.memory_space<hbm>> -> memref<1x64x512xf32, #tpu.memory_space<hbm>>
      %dma_wait3A_473 = tpu.memref_squeeze %dma_wait3A_472 : memref<1x64x512xf32, #tpu.memory_space<hbm>> -> memref<64x512xf32, #tpu.memory_space<hbm>>
      %dma_wait3A_474 = arith.constant 0 : i32
      %dma_wait3A_475 = tpu.memref_slice %arg4[%select_n3A_468, %rem3A_470, %dma_wait3A_474] : memref<50x1024x512xf32, #tpu.memory_space<hbm>> -> memref<1x64x512xf32, #tpu.memory_space<hbm>>
      %dma_wait3A_476 = tpu.memref_squeeze %dma_wait3A_475 : memref<1x64x512xf32, #tpu.memory_space<hbm>> -> memref<64x512xf32, #tpu.memory_space<hbm>>
      tpu.wait_dma2 semaphore(%arg13 : memref<!tpu.dma_semaphore, #tpu.memory_space<semaphore_mem>>) src(%arg7 : memref<64x512xf32, #tpu.memory_space<vmem>>) dst(%dma_wait3A_476 : memref<64x512xf32, #tpu.memory_space<hbm>>)
      %add3A_477 = arith.constant 3 : i32
      %add3A_478 = arith.addi %add3A_400, %add3A_477 : i32
      %mul3A_479 = arith.constant 64 : i32
      %mul3A_480 = arith.muli %add3A_478, %mul3A_479 : i32
      %dma_start3A_481 = tpu.memref_slice %arg5[%mul3A_480] : memref<1600xi32, #tpu.memory_space<vmem>> -> memref<64xi32, #tpu.memory_space<vmem>>
      %dma_start3A_482 = arith.constant 0 : i32
      %dma_start3A_483 = arith.constant 0 : i32
      %dma_start3A_484 = tpu.memref_slice %arg3[%dma_start3A_482, %dma_start3A_483] : memref<100000x512xf32, #tpu.memory_space<hbm>> -> memref<100000x512xf32, #tpu.memory_space<hbm>>
      tpu.enqueue_indirect_dma source(%dma_start3A_484 : memref<100000x512xf32, #tpu.memory_space<hbm>>) target(%arg7 : memref<64x512xf32, #tpu.memory_space<vmem>>) offsets(%dma_start3A_481 : memref<64xi32, #tpu.memory_space<vmem>>) semaphore(%arg10 : memref<!tpu.dma_semaphore, #tpu.memory_space<semaphore_mem>>)
      %add3A_485 = arith.constant 2 : i32
      %add3A_486 = arith.addi %mul3A_312, %add3A_485 : i32
      %mul3A_487 = arith.constant 64 : i32
      %mul3A_488 = arith.muli %add3A_486, %mul3A_487 : i32
      %dma_wait3A_489 = tpu.memref_slice %arg5[%mul3A_488] : memref<1600xi32, #tpu.memory_space<vmem>> -> memref<64xi32, #tpu.memory_space<vmem>>
      %dma_wait3A_490 = arith.constant 0 : i32
      %dma_wait3A_491 = arith.constant 0 : i32
      %dma_wait3A_492 = tpu.memref_slice %arg3[%dma_wait3A_490, %dma_wait3A_491] : memref<100000x512xf32, #tpu.memory_space<hbm>> -> memref<100000x512xf32, #tpu.memory_space<hbm>>
      tpu.wait_indirect_dma semaphore(%arg11 : memref<!tpu.dma_semaphore, #tpu.memory_space<semaphore_mem>>) src(%dma_wait3A_492 : memref<100000x512xf32, #tpu.memory_space<hbm>>) dst(%arg8 : memref<64x512xf32, #tpu.memory_space<vmem>>)
      %mul3A_493 = arith.constant 64 : i32
      %mul3A_494 = arith.muli %add3A_486, %mul3A_493 : i32
      %add3A_495 = arith.addi %mul3A_2, %mul3A_494 : i32
      %jit3A_496 = arith.constant 1024 : i32
      %div3A_497 = arith.divsi %add3A_495, %jit3A_496 : i32
      %sign3A_498 = arith.constant 0 : i32
      %sign3A_499 = arith.cmpi sgt, %add3A_495, %sign3A_498 : i32
      %sign3A_500 = arith.extui %sign3A_499 : i1 to i32
      %sign3A_501 = arith.constant 0 : i32
      %sign3A_502 = arith.cmpi slt, %add3A_495, %sign3A_501 : i32
      %sign3A_503 = arith.extui %sign3A_502 : i1 to i32
      %sign3A_504 = arith.subi %sign3A_500, %sign3A_503 : i32
      %sign3A_505 = arith.constant 0 : i32
      %sign3A_506 = arith.cmpi sgt, %jit3A_496, %sign3A_505 : i32
      %sign3A_507 = arith.extui %sign3A_506 : i1 to i32
      %sign3A_508 = arith.constant 0 : i32
      %sign3A_509 = arith.cmpi slt, %jit3A_496, %sign3A_508 : i32
      %sign3A_510 = arith.extui %sign3A_509 : i1 to i32
      %sign3A_511 = arith.subi %sign3A_507, %sign3A_510 : i32
      %ne3A_512 = arith.cmpi ne, %sign3A_504, %sign3A_511 : i32
      %rem3A_513 = arith.remsi %add3A_495, %jit3A_496 : i32
      %ne3A_514 = arith.constant 0 : i32
      %ne3A_515 = arith.cmpi ne, %rem3A_513, %ne3A_514 : i32
      %and3A_516 = arith.andi %ne3A_512, %ne3A_515 : i1
      %sub3A_517 = arith.constant 1 : i32
      %sub3A_518 = arith.subi %div3A_497, %sub3A_517 : i32
      %select_n3A_519 = arith.select %and3A_516, %sub3A_518, %div3A_497 : i32
      %rem3A_520 = arith.constant 1024 : i32
      %rem3A_521 = arith.remsi %add3A_495, %rem3A_520 : i32
      %dma_start3A_522 = arith.constant 0 : i32
      %dma_start3A_523 = tpu.memref_slice %arg4[%select_n3A_519, %rem3A_521, %dma_start3A_522] : memref<50x1024x512xf32, #tpu.memory_space<hbm>> -> memref<1x64x512xf32, #tpu.memory_space<hbm>>
      %dma_start3A_524 = tpu.memref_squeeze %dma_start3A_523 : memref<1x64x512xf32, #tpu.memory_space<hbm>> -> memref<64x512xf32, #tpu.memory_space<hbm>>
      %dma_start3A_525 = arith.constant 0 : i32
      %dma_start3A_526 = tpu.memref_slice %arg4[%select_n3A_519, %rem3A_521, %dma_start3A_525] : memref<50x1024x512xf32, #tpu.memory_space<hbm>> -> memref<1x64x512xf32, #tpu.memory_space<hbm>>
      %dma_start3A_527 = tpu.memref_squeeze %dma_start3A_526 : memref<1x64x512xf32, #tpu.memory_space<hbm>> -> memref<64x512xf32, #tpu.memory_space<hbm>>
      tpu.enqueue_dma source(%arg8 : memref<64x512xf32, #tpu.memory_space<vmem>>) target(%dma_start3A_527 : memref<64x512xf32, #tpu.memory_space<hbm>>) target_semaphore(%arg14 : memref<!tpu.dma_semaphore, #tpu.memory_space<semaphore_mem>>)
      %mul3A_528 = arith.constant 64 : i32
      %mul3A_529 = arith.muli %add3A_486, %mul3A_528 : i32
      %add3A_530 = arith.addi %mul3A_2, %mul3A_529 : i32
      %jit3A_531 = arith.constant 1024 : i32
      %div3A_532 = arith.divsi %add3A_530, %jit3A_531 : i32
      %sign3A_533 = arith.constant 0 : i32
      %sign3A_534 = arith.cmpi sgt, %add3A_530, %sign3A_533 : i32
      %sign3A_535 = arith.extui %sign3A_534 : i1 to i32
      %sign3A_536 = arith.constant 0 : i32
      %sign3A_537 = arith.cmpi slt, %add3A_530, %sign3A_536 : i32
      %sign3A_538 = arith.extui %sign3A_537 : i1 to i32
      %sign3A_539 = arith.subi %sign3A_535, %sign3A_538 : i32
      %sign3A_540 = arith.constant 0 : i32
      %sign3A_541 = arith.cmpi sgt, %jit3A_531, %sign3A_540 : i32
      %sign3A_542 = arith.extui %sign3A_541 : i1 to i32
      %sign3A_543 = arith.constant 0 : i32
      %sign3A_544 = arith.cmpi slt, %jit3A_531, %sign3A_543 : i32
      %sign3A_545 = arith.extui %sign3A_544 : i1 to i32
      %sign3A_546 = arith.subi %sign3A_542, %sign3A_545 : i32
      %ne3A_547 = arith.cmpi ne, %sign3A_539, %sign3A_546 : i32
      %rem3A_548 = arith.remsi %add3A_530, %jit3A_531 : i32
      %ne3A_549 = arith.constant 0 : i32
      %ne3A_550 = arith.cmpi ne, %rem3A_548, %ne3A_549 : i32
      %and3A_551 = arith.andi %ne3A_547, %ne3A_550 : i1
      %sub3A_552 = arith.constant 1 : i32
      %sub3A_553 = arith.subi %div3A_532, %sub3A_552 : i32
      %select_n3A_554 = arith.select %and3A_551, %sub3A_553, %div3A_532 : i32
      %rem3A_555 = arith.constant 1024 : i32
      %rem3A_556 = arith.remsi %add3A_530, %rem3A_555 : i32
      %dma_wait3A_557 = arith.constant 0 : i32
      %dma_wait3A_558 = tpu.memref_slice %arg4[%select_n3A_554, %rem3A_556, %dma_wait3A_557] : memref<50x1024x512xf32, #tpu.memory_space<hbm>> -> memref<1x64x512xf32, #tpu.memory_space<hbm>>
      %dma_wait3A_559 = tpu.memref_squeeze %dma_wait3A_558 : memref<1x64x512xf32, #tpu.memory_space<hbm>> -> memref<64x512xf32, #tpu.memory_space<hbm>>
      %dma_wait3A_560 = arith.constant 0 : i32
      %dma_wait3A_561 = tpu.memref_slice %arg4[%select_n3A_554, %rem3A_556, %dma_wait3A_560] : memref<50x1024x512xf32, #tpu.memory_space<hbm>> -> memref<1x64x512xf32, #tpu.memory_space<hbm>>
      %dma_wait3A_562 = tpu.memref_squeeze %dma_wait3A_561 : memref<1x64x512xf32, #tpu.memory_space<hbm>> -> memref<64x512xf32, #tpu.memory_space<hbm>>
      tpu.wait_dma2 semaphore(%arg14 : memref<!tpu.dma_semaphore, #tpu.memory_space<semaphore_mem>>) src(%arg8 : memref<64x512xf32, #tpu.memory_space<vmem>>) dst(%dma_wait3A_562 : memref<64x512xf32, #tpu.memory_space<hbm>>)
      %add3A_563 = arith.constant 3 : i32
      %add3A_564 = arith.addi %add3A_486, %add3A_563 : i32
      %mul3A_565 = arith.constant 64 : i32
      %mul3A_566 = arith.muli %add3A_564, %mul3A_565 : i32
      %dma_start3A_567 = tpu.memref_slice %arg5[%mul3A_566] : memref<1600xi32, #tpu.memory_space<vmem>> -> memref<64xi32, #tpu.memory_space<vmem>>
      %dma_start3A_568 = arith.constant 0 : i32
      %dma_start3A_569 = arith.constant 0 : i32
      %dma_start3A_570 = tpu.memref_slice %arg3[%dma_start3A_568, %dma_start3A_569] : memref<100000x512xf32, #tpu.memory_space<hbm>> -> memref<100000x512xf32, #tpu.memory_space<hbm>>
      tpu.enqueue_indirect_dma source(%dma_start3A_570 : memref<100000x512xf32, #tpu.memory_space<hbm>>) target(%arg8 : memref<64x512xf32, #tpu.memory_space<vmem>>) offsets(%dma_start3A_567 : memref<64xi32, #tpu.memory_space<vmem>>) semaphore(%arg11 : memref<!tpu.dma_semaphore, #tpu.memory_space<semaphore_mem>>)
    }
    %scan3A_21 = arith.constant 7 : i32
    %dma_wait3A = arith.constant 1344 : i32
    %dma_wait3A_22 = tpu.memref_slice %arg5[%dma_wait3A] : memref<1600xi32, #tpu.memory_space<vmem>> -> memref<64xi32, #tpu.memory_space<vmem>>
    %dma_wait3A_23 = arith.constant 0 : i32
    %dma_wait3A_24 = arith.constant 0 : i32
    %dma_wait3A_25 = tpu.memref_slice %arg3[%dma_wait3A_23, %dma_wait3A_24] : memref<100000x512xf32, #tpu.memory_space<hbm>> -> memref<100000x512xf32, #tpu.memory_space<hbm>>
    tpu.wait_indirect_dma semaphore(%arg9 : memref<!tpu.dma_semaphore, #tpu.memory_space<semaphore_mem>>) src(%dma_wait3A_25 : memref<100000x512xf32, #tpu.memory_space<hbm>>) dst(%arg6 : memref<64x512xf32, #tpu.memory_space<vmem>>)
    %add3A_26 = arith.constant 1344 : i32
    %add3A_27 = arith.addi %mul3A_2, %add3A_26 : i32
    %jit3A = arith.constant 1024 : i32
    %div3A = arith.divsi %add3A_27, %jit3A : i32
    %sign3A = arith.constant 0 : i32
    %sign3A_28 = arith.cmpi sgt, %add3A_27, %sign3A : i32
    %sign3A_29 = arith.extui %sign3A_28 : i1 to i32
    %sign3A_30 = arith.constant 0 : i32
    %sign3A_31 = arith.cmpi slt, %add3A_27, %sign3A_30 : i32
    %sign3A_32 = arith.extui %sign3A_31 : i1 to i32
    %sign3A_33 = arith.subi %sign3A_29, %sign3A_32 : i32
    %sign3A_34 = arith.constant 0 : i32
    %sign3A_35 = arith.cmpi sgt, %jit3A, %sign3A_34 : i32
    %sign3A_36 = arith.extui %sign3A_35 : i1 to i32
    %sign3A_37 = arith.constant 0 : i32
    %sign3A_38 = arith.cmpi slt, %jit3A, %sign3A_37 : i32
    %sign3A_39 = arith.extui %sign3A_38 : i1 to i32
    %sign3A_40 = arith.subi %sign3A_36, %sign3A_39 : i32
    %ne3A = arith.cmpi ne, %sign3A_33, %sign3A_40 : i32
    %rem3A = arith.remsi %add3A_27, %jit3A : i32
    %ne3A_41 = arith.constant 0 : i32
    %ne3A_42 = arith.cmpi ne, %rem3A, %ne3A_41 : i32
    %and3A = arith.andi %ne3A, %ne3A_42 : i1
    %sub3A = arith.constant 1 : i32
    %sub3A_43 = arith.subi %div3A, %sub3A : i32
    %select_n3A = arith.select %and3A, %sub3A_43, %div3A : i32
    %rem3A_44 = arith.constant 1024 : i32
    %rem3A_45 = arith.remsi %add3A_27, %rem3A_44 : i32
    %dma_start3A_46 = arith.constant 0 : i32
    %dma_start3A_47 = tpu.memref_slice %arg4[%select_n3A, %rem3A_45, %dma_start3A_46] : memref<50x1024x512xf32, #tpu.memory_space<hbm>> -> memref<1x64x512xf32, #tpu.memory_space<hbm>>
    %dma_start3A_48 = tpu.memref_squeeze %dma_start3A_47 : memref<1x64x512xf32, #tpu.memory_space<hbm>> -> memref<64x512xf32, #tpu.memory_space<hbm>>
    %dma_start3A_49 = arith.constant 0 : i32
    %dma_start3A_50 = tpu.memref_slice %arg4[%select_n3A, %rem3A_45, %dma_start3A_49] : memref<50x1024x512xf32, #tpu.memory_space<hbm>> -> memref<1x64x512xf32, #tpu.memory_space<hbm>>
    %dma_start3A_51 = tpu.memref_squeeze %dma_start3A_50 : memref<1x64x512xf32, #tpu.memory_space<hbm>> -> memref<64x512xf32, #tpu.memory_space<hbm>>
    tpu.enqueue_dma source(%arg6 : memref<64x512xf32, #tpu.memory_space<vmem>>) target(%dma_start3A_51 : memref<64x512xf32, #tpu.memory_space<hbm>>) target_semaphore(%arg12 : memref<!tpu.dma_semaphore, #tpu.memory_space<semaphore_mem>>)
    %add3A_52 = arith.constant 1344 : i32
    %add3A_53 = arith.addi %mul3A_2, %add3A_52 : i32
    %jit3A_54 = arith.constant 1024 : i32
    %div3A_55 = arith.divsi %add3A_53, %jit3A_54 : i32
    %sign3A_56 = arith.constant 0 : i32
    %sign3A_57 = arith.cmpi sgt, %add3A_53, %sign3A_56 : i32
    %sign3A_58 = arith.extui %sign3A_57 : i1 to i32
    %sign3A_59 = arith.constant 0 : i32
    %sign3A_60 = arith.cmpi slt, %add3A_53, %sign3A_59 : i32
    %sign3A_61 = arith.extui %sign3A_60 : i1 to i32
    %sign3A_62 = arith.subi %sign3A_58, %sign3A_61 : i32
    %sign3A_63 = arith.constant 0 : i32
    %sign3A_64 = arith.cmpi sgt, %jit3A_54, %sign3A_63 : i32
    %sign3A_65 = arith.extui %sign3A_64 : i1 to i32
    %sign3A_66 = arith.constant 0 : i32
    %sign3A_67 = arith.cmpi slt, %jit3A_54, %sign3A_66 : i32
    %sign3A_68 = arith.extui %sign3A_67 : i1 to i32
    %sign3A_69 = arith.subi %sign3A_65, %sign3A_68 : i32
    %ne3A_70 = arith.cmpi ne, %sign3A_62, %sign3A_69 : i32
    %rem3A_71 = arith.remsi %add3A_53, %jit3A_54 : i32
    %ne3A_72 = arith.constant 0 : i32
    %ne3A_73 = arith.cmpi ne, %rem3A_71, %ne3A_72 : i32
    %and3A_74 = arith.andi %ne3A_70, %ne3A_73 : i1
    %sub3A_75 = arith.constant 1 : i32
    %sub3A_76 = arith.subi %div3A_55, %sub3A_75 : i32
    %select_n3A_77 = arith.select %and3A_74, %sub3A_76, %div3A_55 : i32
    %rem3A_78 = arith.constant 1024 : i32
    %rem3A_79 = arith.remsi %add3A_53, %rem3A_78 : i32
    %dma_wait3A_80 = arith.constant 0 : i32
    %dma_wait3A_81 = tpu.memref_slice %arg4[%select_n3A_77, %rem3A_79, %dma_wait3A_80] : memref<50x1024x512xf32, #tpu.memory_space<hbm>> -> memref<1x64x512xf32, #tpu.memory_space<hbm>>
    %dma_wait3A_82 = tpu.memref_squeeze %dma_wait3A_81 : memref<1x64x512xf32, #tpu.memory_space<hbm>> -> memref<64x512xf32, #tpu.memory_space<hbm>>
    %dma_wait3A_83 = arith.constant 0 : i32
    %dma_wait3A_84 = tpu.memref_slice %arg4[%select_n3A_77, %rem3A_79, %dma_wait3A_83] : memref<50x1024x512xf32, #tpu.memory_space<hbm>> -> memref<1x64x512xf32, #tpu.memory_space<hbm>>
    %dma_wait3A_85 = tpu.memref_squeeze %dma_wait3A_84 : memref<1x64x512xf32, #tpu.memory_space<hbm>> -> memref<64x512xf32, #tpu.memory_space<hbm>>
    tpu.wait_dma2 semaphore(%arg12 : memref<!tpu.dma_semaphore, #tpu.memory_space<semaphore_mem>>) src(%arg6 : memref<64x512xf32, #tpu.memory_space<vmem>>) dst(%dma_wait3A_85 : memref<64x512xf32, #tpu.memory_space<hbm>>)
    %dma_start3A_86 = arith.constant 1536 : i32
    %dma_start3A_87 = tpu.memref_slice %arg5[%dma_start3A_86] : memref<1600xi32, #tpu.memory_space<vmem>> -> memref<64xi32, #tpu.memory_space<vmem>>
    %dma_start3A_88 = arith.constant 0 : i32
    %dma_start3A_89 = arith.constant 0 : i32
    %dma_start3A_90 = tpu.memref_slice %arg3[%dma_start3A_88, %dma_start3A_89] : memref<100000x512xf32, #tpu.memory_space<hbm>> -> memref<100000x512xf32, #tpu.memory_space<hbm>>
    tpu.enqueue_indirect_dma source(%dma_start3A_90 : memref<100000x512xf32, #tpu.memory_space<hbm>>) target(%arg6 : memref<64x512xf32, #tpu.memory_space<vmem>>) offsets(%dma_start3A_87 : memref<64xi32, #tpu.memory_space<vmem>>) semaphore(%arg9 : memref<!tpu.dma_semaphore, #tpu.memory_space<semaphore_mem>>)
    %dma_wait3A_91 = arith.constant 1408 : i32
    %dma_wait3A_92 = tpu.memref_slice %arg5[%dma_wait3A_91] : memref<1600xi32, #tpu.memory_space<vmem>> -> memref<64xi32, #tpu.memory_space<vmem>>
    %dma_wait3A_93 = arith.constant 0 : i32
    %dma_wait3A_94 = arith.constant 0 : i32
    %dma_wait3A_95 = tpu.memref_slice %arg3[%dma_wait3A_93, %dma_wait3A_94] : memref<100000x512xf32, #tpu.memory_space<hbm>> -> memref<100000x512xf32, #tpu.memory_space<hbm>>
    tpu.wait_indirect_dma semaphore(%arg10 : memref<!tpu.dma_semaphore, #tpu.memory_space<semaphore_mem>>) src(%dma_wait3A_95 : memref<100000x512xf32, #tpu.memory_space<hbm>>) dst(%arg7 : memref<64x512xf32, #tpu.memory_space<vmem>>)
    %add3A_96 = arith.constant 1408 : i32
    %add3A_97 = arith.addi %mul3A_2, %add3A_96 : i32
    %jit3A_98 = arith.constant 1024 : i32
    %div3A_99 = arith.divsi %add3A_97, %jit3A_98 : i32
    %sign3A_100 = arith.constant 0 : i32
    %sign3A_101 = arith.cmpi sgt, %add3A_97, %sign3A_100 : i32
    %sign3A_102 = arith.extui %sign3A_101 : i1 to i32
    %sign3A_103 = arith.constant 0 : i32
    %sign3A_104 = arith.cmpi slt, %add3A_97, %sign3A_103 : i32
    %sign3A_105 = arith.extui %sign3A_104 : i1 to i32
    %sign3A_106 = arith.subi %sign3A_102, %sign3A_105 : i32
    %sign3A_107 = arith.constant 0 : i32
    %sign3A_108 = arith.cmpi sgt, %jit3A_98, %sign3A_107 : i32
    %sign3A_109 = arith.extui %sign3A_108 : i1 to i32
    %sign3A_110 = arith.constant 0 : i32
    %sign3A_111 = arith.cmpi slt, %jit3A_98, %sign3A_110 : i32
    %sign3A_112 = arith.extui %sign3A_111 : i1 to i32
    %sign3A_113 = arith.subi %sign3A_109, %sign3A_112 : i32
    %ne3A_114 = arith.cmpi ne, %sign3A_106, %sign3A_113 : i32
    %rem3A_115 = arith.remsi %add3A_97, %jit3A_98 : i32
    %ne3A_116 = arith.constant 0 : i32
    %ne3A_117 = arith.cmpi ne, %rem3A_115, %ne3A_116 : i32
    %and3A_118 = arith.andi %ne3A_114, %ne3A_117 : i1
    %sub3A_119 = arith.constant 1 : i32
    %sub3A_120 = arith.subi %div3A_99, %sub3A_119 : i32
    %select_n3A_121 = arith.select %and3A_118, %sub3A_120, %div3A_99 : i32
    %rem3A_122 = arith.constant 1024 : i32
    %rem3A_123 = arith.remsi %add3A_97, %rem3A_122 : i32
    %dma_start3A_124 = arith.constant 0 : i32
    %dma_start3A_125 = tpu.memref_slice %arg4[%select_n3A_121, %rem3A_123, %dma_start3A_124] : memref<50x1024x512xf32, #tpu.memory_space<hbm>> -> memref<1x64x512xf32, #tpu.memory_space<hbm>>
    %dma_start3A_126 = tpu.memref_squeeze %dma_start3A_125 : memref<1x64x512xf32, #tpu.memory_space<hbm>> -> memref<64x512xf32, #tpu.memory_space<hbm>>
    %dma_start3A_127 = arith.constant 0 : i32
    %dma_start3A_128 = tpu.memref_slice %arg4[%select_n3A_121, %rem3A_123, %dma_start3A_127] : memref<50x1024x512xf32, #tpu.memory_space<hbm>> -> memref<1x64x512xf32, #tpu.memory_space<hbm>>
    %dma_start3A_129 = tpu.memref_squeeze %dma_start3A_128 : memref<1x64x512xf32, #tpu.memory_space<hbm>> -> memref<64x512xf32, #tpu.memory_space<hbm>>
    tpu.enqueue_dma source(%arg7 : memref<64x512xf32, #tpu.memory_space<vmem>>) target(%dma_start3A_129 : memref<64x512xf32, #tpu.memory_space<hbm>>) target_semaphore(%arg13 : memref<!tpu.dma_semaphore, #tpu.memory_space<semaphore_mem>>)
    %add3A_130 = arith.constant 1408 : i32
    %add3A_131 = arith.addi %mul3A_2, %add3A_130 : i32
    %jit3A_132 = arith.constant 1024 : i32
    %div3A_133 = arith.divsi %add3A_131, %jit3A_132 : i32
    %sign3A_134 = arith.constant 0 : i32
    %sign3A_135 = arith.cmpi sgt, %add3A_131, %sign3A_134 : i32
    %sign3A_136 = arith.extui %sign3A_135 : i1 to i32
    %sign3A_137 = arith.constant 0 : i32
    %sign3A_138 = arith.cmpi slt, %add3A_131, %sign3A_137 : i32
    %sign3A_139 = arith.extui %sign3A_138 : i1 to i32
    %sign3A_140 = arith.subi %sign3A_136, %sign3A_139 : i32
    %sign3A_141 = arith.constant 0 : i32
    %sign3A_142 = arith.cmpi sgt, %jit3A_132, %sign3A_141 : i32
    %sign3A_143 = arith.extui %sign3A_142 : i1 to i32
    %sign3A_144 = arith.constant 0 : i32
    %sign3A_145 = arith.cmpi slt, %jit3A_132, %sign3A_144 : i32
    %sign3A_146 = arith.extui %sign3A_145 : i1 to i32
    %sign3A_147 = arith.subi %sign3A_143, %sign3A_146 : i32
    %ne3A_148 = arith.cmpi ne, %sign3A_140, %sign3A_147 : i32
    %rem3A_149 = arith.remsi %add3A_131, %jit3A_132 : i32
    %ne3A_150 = arith.constant 0 : i32
    %ne3A_151 = arith.cmpi ne, %rem3A_149, %ne3A_150 : i32
    %and3A_152 = arith.andi %ne3A_148, %ne3A_151 : i1
    %sub3A_153 = arith.constant 1 : i32
    %sub3A_154 = arith.subi %div3A_133, %sub3A_153 : i32
    %select_n3A_155 = arith.select %and3A_152, %sub3A_154, %div3A_133 : i32
    %rem3A_156 = arith.constant 1024 : i32
    %rem3A_157 = arith.remsi %add3A_131, %rem3A_156 : i32
    %dma_wait3A_158 = arith.constant 0 : i32
    %dma_wait3A_159 = tpu.memref_slice %arg4[%select_n3A_155, %rem3A_157, %dma_wait3A_158] : memref<50x1024x512xf32, #tpu.memory_space<hbm>> -> memref<1x64x512xf32, #tpu.memory_space<hbm>>
    %dma_wait3A_160 = tpu.memref_squeeze %dma_wait3A_159 : memref<1x64x512xf32, #tpu.memory_space<hbm>> -> memref<64x512xf32, #tpu.memory_space<hbm>>
    %dma_wait3A_161 = arith.constant 0 : i32
    %dma_wait3A_162 = tpu.memref_slice %arg4[%select_n3A_155, %rem3A_157, %dma_wait3A_161] : memref<50x1024x512xf32, #tpu.memory_space<hbm>> -> memref<1x64x512xf32, #tpu.memory_space<hbm>>
    %dma_wait3A_163 = tpu.memref_squeeze %dma_wait3A_162 : memref<1x64x512xf32, #tpu.memory_space<hbm>> -> memref<64x512xf32, #tpu.memory_space<hbm>>
    tpu.wait_dma2 semaphore(%arg13 : memref<!tpu.dma_semaphore, #tpu.memory_space<semaphore_mem>>) src(%arg7 : memref<64x512xf32, #tpu.memory_space<vmem>>) dst(%dma_wait3A_163 : memref<64x512xf32, #tpu.memory_space<hbm>>)
    %dma_wait3A_164 = arith.constant 1472 : i32
    %dma_wait3A_165 = tpu.memref_slice %arg5[%dma_wait3A_164] : memref<1600xi32, #tpu.memory_space<vmem>> -> memref<64xi32, #tpu.memory_space<vmem>>
    %dma_wait3A_166 = arith.constant 0 : i32
    %dma_wait3A_167 = arith.constant 0 : i32
    %dma_wait3A_168 = tpu.memref_slice %arg3[%dma_wait3A_166, %dma_wait3A_167] : memref<100000x512xf32, #tpu.memory_space<hbm>> -> memref<100000x512xf32, #tpu.memory_space<hbm>>
    tpu.wait_indirect_dma semaphore(%arg11 : memref<!tpu.dma_semaphore, #tpu.memory_space<semaphore_mem>>) src(%dma_wait3A_168 : memref<100000x512xf32, #tpu.memory_space<hbm>>) dst(%arg8 : memref<64x512xf32, #tpu.memory_space<vmem>>)
    %add3A_169 = arith.constant 1472 : i32
    %add3A_170 = arith.addi %mul3A_2, %add3A_169 : i32
    %jit3A_171 = arith.constant 1024 : i32
    %div3A_172 = arith.divsi %add3A_170, %jit3A_171 : i32
    %sign3A_173 = arith.constant 0 : i32
    %sign3A_174 = arith.cmpi sgt, %add3A_170, %sign3A_173 : i32
    %sign3A_175 = arith.extui %sign3A_174 : i1 to i32
    %sign3A_176 = arith.constant 0 : i32
    %sign3A_177 = arith.cmpi slt, %add3A_170, %sign3A_176 : i32
    %sign3A_178 = arith.extui %sign3A_177 : i1 to i32
    %sign3A_179 = arith.subi %sign3A_175, %sign3A_178 : i32
    %sign3A_180 = arith.constant 0 : i32
    %sign3A_181 = arith.cmpi sgt, %jit3A_171, %sign3A_180 : i32
    %sign3A_182 = arith.extui %sign3A_181 : i1 to i32
    %sign3A_183 = arith.constant 0 : i32
    %sign3A_184 = arith.cmpi slt, %jit3A_171, %sign3A_183 : i32
    %sign3A_185 = arith.extui %sign3A_184 : i1 to i32
    %sign3A_186 = arith.subi %sign3A_182, %sign3A_185 : i32
    %ne3A_187 = arith.cmpi ne, %sign3A_179, %sign3A_186 : i32
    %rem3A_188 = arith.remsi %add3A_170, %jit3A_171 : i32
    %ne3A_189 = arith.constant 0 : i32
    %ne3A_190 = arith.cmpi ne, %rem3A_188, %ne3A_189 : i32
    %and3A_191 = arith.andi %ne3A_187, %ne3A_190 : i1
    %sub3A_192 = arith.constant 1 : i32
    %sub3A_193 = arith.subi %div3A_172, %sub3A_192 : i32
    %select_n3A_194 = arith.select %and3A_191, %sub3A_193, %div3A_172 : i32
    %rem3A_195 = arith.constant 1024 : i32
    %rem3A_196 = arith.remsi %add3A_170, %rem3A_195 : i32
    %dma_start3A_197 = arith.constant 0 : i32
    %dma_start3A_198 = tpu.memref_slice %arg4[%select_n3A_194, %rem3A_196, %dma_start3A_197] : memref<50x1024x512xf32, #tpu.memory_space<hbm>> -> memref<1x64x512xf32, #tpu.memory_space<hbm>>
    %dma_start3A_199 = tpu.memref_squeeze %dma_start3A_198 : memref<1x64x512xf32, #tpu.memory_space<hbm>> -> memref<64x512xf32, #tpu.memory_space<hbm>>
    %dma_start3A_200 = arith.constant 0 : i32
    %dma_start3A_201 = tpu.memref_slice %arg4[%select_n3A_194, %rem3A_196, %dma_start3A_200] : memref<50x1024x512xf32, #tpu.memory_space<hbm>> -> memref<1x64x512xf32, #tpu.memory_space<hbm>>
    %dma_start3A_202 = tpu.memref_squeeze %dma_start3A_201 : memref<1x64x512xf32, #tpu.memory_space<hbm>> -> memref<64x512xf32, #tpu.memory_space<hbm>>
    tpu.enqueue_dma source(%arg8 : memref<64x512xf32, #tpu.memory_space<vmem>>) target(%dma_start3A_202 : memref<64x512xf32, #tpu.memory_space<hbm>>) target_semaphore(%arg14 : memref<!tpu.dma_semaphore, #tpu.memory_space<semaphore_mem>>)
    %add3A_203 = arith.constant 1472 : i32
    %add3A_204 = arith.addi %mul3A_2, %add3A_203 : i32
    %jit3A_205 = arith.constant 1024 : i32
    %div3A_206 = arith.divsi %add3A_204, %jit3A_205 : i32
    %sign3A_207 = arith.constant 0 : i32
    %sign3A_208 = arith.cmpi sgt, %add3A_204, %sign3A_207 : i32
    %sign3A_209 = arith.extui %sign3A_208 : i1 to i32
    %sign3A_210 = arith.constant 0 : i32
    %sign3A_211 = arith.cmpi slt, %add3A_204, %sign3A_210 : i32
    %sign3A_212 = arith.extui %sign3A_211 : i1 to i32
    %sign3A_213 = arith.subi %sign3A_209, %sign3A_212 : i32
    %sign3A_214 = arith.constant 0 : i32
    %sign3A_215 = arith.cmpi sgt, %jit3A_205, %sign3A_214 : i32
    %sign3A_216 = arith.extui %sign3A_215 : i1 to i32
    %sign3A_217 = arith.constant 0 : i32
    %sign3A_218 = arith.cmpi slt, %jit3A_205, %sign3A_217 : i32
    %sign3A_219 = arith.extui %sign3A_218 : i1 to i32
    %sign3A_220 = arith.subi %sign3A_216, %sign3A_219 : i32
    %ne3A_221 = arith.cmpi ne, %sign3A_213, %sign3A_220 : i32
    %rem3A_222 = arith.remsi %add3A_204, %jit3A_205 : i32
    %ne3A_223 = arith.constant 0 : i32
    %ne3A_224 = arith.cmpi ne, %rem3A_222, %ne3A_223 : i32
    %and3A_225 = arith.andi %ne3A_221, %ne3A_224 : i1
    %sub3A_226 = arith.constant 1 : i32
    %sub3A_227 = arith.subi %div3A_206, %sub3A_226 : i32
    %select_n3A_228 = arith.select %and3A_225, %sub3A_227, %div3A_206 : i32
    %rem3A_229 = arith.constant 1024 : i32
    %rem3A_230 = arith.remsi %add3A_204, %rem3A_229 : i32
    %dma_wait3A_231 = arith.constant 0 : i32
    %dma_wait3A_232 = tpu.memref_slice %arg4[%select_n3A_228, %rem3A_230, %dma_wait3A_231] : memref<50x1024x512xf32, #tpu.memory_space<hbm>> -> memref<1x64x512xf32, #tpu.memory_space<hbm>>
    %dma_wait3A_233 = tpu.memref_squeeze %dma_wait3A_232 : memref<1x64x512xf32, #tpu.memory_space<hbm>> -> memref<64x512xf32, #tpu.memory_space<hbm>>
    %dma_wait3A_234 = arith.constant 0 : i32
    %dma_wait3A_235 = tpu.memref_slice %arg4[%select_n3A_228, %rem3A_230, %dma_wait3A_234] : memref<50x1024x512xf32, #tpu.memory_space<hbm>> -> memref<1x64x512xf32, #tpu.memory_space<hbm>>
    %dma_wait3A_236 = tpu.memref_squeeze %dma_wait3A_235 : memref<1x64x512xf32, #tpu.memory_space<hbm>> -> memref<64x512xf32, #tpu.memory_space<hbm>>
    tpu.wait_dma2 semaphore(%arg14 : memref<!tpu.dma_semaphore, #tpu.memory_space<semaphore_mem>>) src(%arg8 : memref<64x512xf32, #tpu.memory_space<vmem>>) dst(%dma_wait3A_236 : memref<64x512xf32, #tpu.memory_space<hbm>>)
    %dma_wait3A_237 = arith.constant 1536 : i32
    %dma_wait3A_238 = tpu.memref_slice %arg5[%dma_wait3A_237] : memref<1600xi32, #tpu.memory_space<vmem>> -> memref<64xi32, #tpu.memory_space<vmem>>
    %dma_wait3A_239 = arith.constant 0 : i32
    %dma_wait3A_240 = arith.constant 0 : i32
    %dma_wait3A_241 = tpu.memref_slice %arg3[%dma_wait3A_239, %dma_wait3A_240] : memref<100000x512xf32, #tpu.memory_space<hbm>> -> memref<100000x512xf32, #tpu.memory_space<hbm>>
    tpu.wait_indirect_dma semaphore(%arg9 : memref<!tpu.dma_semaphore, #tpu.memory_space<semaphore_mem>>) src(%dma_wait3A_241 : memref<100000x512xf32, #tpu.memory_space<hbm>>) dst(%arg6 : memref<64x512xf32, #tpu.memory_space<vmem>>)
    %add3A_242 = arith.constant 1536 : i32
    %add3A_243 = arith.addi %mul3A_2, %add3A_242 : i32
    %jit3A_244 = arith.constant 1024 : i32
    %div3A_245 = arith.divsi %add3A_243, %jit3A_244 : i32
    %sign3A_246 = arith.constant 0 : i32
    %sign3A_247 = arith.cmpi sgt, %add3A_243, %sign3A_246 : i32
    %sign3A_248 = arith.extui %sign3A_247 : i1 to i32
    %sign3A_249 = arith.constant 0 : i32
    %sign3A_250 = arith.cmpi slt, %add3A_243, %sign3A_249 : i32
    %sign3A_251 = arith.extui %sign3A_250 : i1 to i32
    %sign3A_252 = arith.subi %sign3A_248, %sign3A_251 : i32
    %sign3A_253 = arith.constant 0 : i32
    %sign3A_254 = arith.cmpi sgt, %jit3A_244, %sign3A_253 : i32
    %sign3A_255 = arith.extui %sign3A_254 : i1 to i32
    %sign3A_256 = arith.constant 0 : i32
    %sign3A_257 = arith.cmpi slt, %jit3A_244, %sign3A_256 : i32
    %sign3A_258 = arith.extui %sign3A_257 : i1 to i32
    %sign3A_259 = arith.subi %sign3A_255, %sign3A_258 : i32
    %ne3A_260 = arith.cmpi ne, %sign3A_252, %sign3A_259 : i32
    %rem3A_261 = arith.remsi %add3A_243, %jit3A_244 : i32
    %ne3A_262 = arith.constant 0 : i32
    %ne3A_263 = arith.cmpi ne, %rem3A_261, %ne3A_262 : i32
    %and3A_264 = arith.andi %ne3A_260, %ne3A_263 : i1
    %sub3A_265 = arith.constant 1 : i32
    %sub3A_266 = arith.subi %div3A_245, %sub3A_265 : i32
    %select_n3A_267 = arith.select %and3A_264, %sub3A_266, %div3A_245 : i32
    %rem3A_268 = arith.constant 1024 : i32
    %rem3A_269 = arith.remsi %add3A_243, %rem3A_268 : i32
    %dma_start3A_270 = arith.constant 0 : i32
    %dma_start3A_271 = tpu.memref_slice %arg4[%select_n3A_267, %rem3A_269, %dma_start3A_270] : memref<50x1024x512xf32, #tpu.memory_space<hbm>> -> memref<1x64x512xf32, #tpu.memory_space<hbm>>
    %dma_start3A_272 = tpu.memref_squeeze %dma_start3A_271 : memref<1x64x512xf32, #tpu.memory_space<hbm>> -> memref<64x512xf32, #tpu.memory_space<hbm>>
    %dma_start3A_273 = arith.constant 0 : i32
    %dma_start3A_274 = tpu.memref_slice %arg4[%select_n3A_267, %rem3A_269, %dma_start3A_273] : memref<50x1024x512xf32, #tpu.memory_space<hbm>> -> memref<1x64x512xf32, #tpu.memory_space<hbm>>
    %dma_start3A_275 = tpu.memref_squeeze %dma_start3A_274 : memref<1x64x512xf32, #tpu.memory_space<hbm>> -> memref<64x512xf32, #tpu.memory_space<hbm>>
    tpu.enqueue_dma source(%arg6 : memref<64x512xf32, #tpu.memory_space<vmem>>) target(%dma_start3A_275 : memref<64x512xf32, #tpu.memory_space<hbm>>) target_semaphore(%arg12 : memref<!tpu.dma_semaphore, #tpu.memory_space<semaphore_mem>>)
    %add3A_276 = arith.constant 1536 : i32
    %add3A_277 = arith.addi %mul3A_2, %add3A_276 : i32
    %jit3A_278 = arith.constant 1024 : i32
    %div3A_279 = arith.divsi %add3A_277, %jit3A_278 : i32
    %sign3A_280 = arith.constant 0 : i32
    %sign3A_281 = arith.cmpi sgt, %add3A_277, %sign3A_280 : i32
    %sign3A_282 = arith.extui %sign3A_281 : i1 to i32
    %sign3A_283 = arith.constant 0 : i32
    %sign3A_284 = arith.cmpi slt, %add3A_277, %sign3A_283 : i32
    %sign3A_285 = arith.extui %sign3A_284 : i1 to i32
    %sign3A_286 = arith.subi %sign3A_282, %sign3A_285 : i32
    %sign3A_287 = arith.constant 0 : i32
    %sign3A_288 = arith.cmpi sgt, %jit3A_278, %sign3A_287 : i32
    %sign3A_289 = arith.extui %sign3A_288 : i1 to i32
    %sign3A_290 = arith.constant 0 : i32
    %sign3A_291 = arith.cmpi slt, %jit3A_278, %sign3A_290 : i32
    %sign3A_292 = arith.extui %sign3A_291 : i1 to i32
    %sign3A_293 = arith.subi %sign3A_289, %sign3A_292 : i32
    %ne3A_294 = arith.cmpi ne, %sign3A_286, %sign3A_293 : i32
    %rem3A_295 = arith.remsi %add3A_277, %jit3A_278 : i32
    %ne3A_296 = arith.constant 0 : i32
    %ne3A_297 = arith.cmpi ne, %rem3A_295, %ne3A_296 : i32
    %and3A_298 = arith.andi %ne3A_294, %ne3A_297 : i1
    %sub3A_299 = arith.constant 1 : i32
    %sub3A_300 = arith.subi %div3A_279, %sub3A_299 : i32
    %select_n3A_301 = arith.select %and3A_298, %sub3A_300, %div3A_279 : i32
    %rem3A_302 = arith.constant 1024 : i32
    %rem3A_303 = arith.remsi %add3A_277, %rem3A_302 : i32
    %dma_wait3A_304 = arith.constant 0 : i32
    %dma_wait3A_305 = tpu.memref_slice %arg4[%select_n3A_301, %rem3A_303, %dma_wait3A_304] : memref<50x1024x512xf32, #tpu.memory_space<hbm>> -> memref<1x64x512xf32, #tpu.memory_space<hbm>>
    %dma_wait3A_306 = tpu.memref_squeeze %dma_wait3A_305 : memref<1x64x512xf32, #tpu.memory_space<hbm>> -> memref<64x512xf32, #tpu.memory_space<hbm>>
    %dma_wait3A_307 = arith.constant 0 : i32
    %dma_wait3A_308 = tpu.memref_slice %arg4[%select_n3A_301, %rem3A_303, %dma_wait3A_307] : memref<50x1024x512xf32, #tpu.memory_space<hbm>> -> memref<1x64x512xf32, #tpu.memory_space<hbm>>
    %dma_wait3A_309 = tpu.memref_squeeze %dma_wait3A_308 : memref<1x64x512xf32, #tpu.memory_space<hbm>> -> memref<64x512xf32, #tpu.memory_space<hbm>>
    tpu.wait_dma2 semaphore(%arg12 : memref<!tpu.dma_semaphore, #tpu.memory_space<semaphore_mem>>) src(%arg6 : memref<64x512xf32, #tpu.memory_space<vmem>>) dst(%dma_wait3A_309 : memref<64x512xf32, #tpu.memory_space<hbm>>)
    return
  }
}

</mosaic_0001>

<sc_bundles>
// kernel: kernel.3.cloned.1.call-start
scs
__scs_entry_jumppad:
0x0: {  	(pc) =	sbr.rel $0x88, $3  }
0x1: {  	(tag) =	ssettag $0x0;
	lr =	simm.s32 $0x1  }
0x2: {  	[smem:$0x3F9F] =	sst lr;
	_ =	strace $0xD0000000  }
0x3: {  	_ = 	snop  }
0x4: {  	_ = 	snop  }
0x5: {  	_ = 	snop  }
0x6: {  	_ = 	snop  }
0x7: {  	_ = 	snop  }
__scs_overlays_trampoline_lowered:
0x8: {  	[smem:$0x3FAE] =	sst s0  }
0x9: {  	[smem:$0x3FAF] =	sst s1  }
0xa: {  	[smem:$0x3FB0] =	sst s2  }
0xb: {  	[smem:$0x3FB1] =	sst s3  }
0xc: {  	[smem:$0x3FB2] =	sst s4  }
0xd: {  	[smem:$0x3FB3] =	sst s5  }
0xe: {  	[smem:$0x3FB4] =	sst s6  }
0xf: {  	[smem:$0x3FB5] =	sst s7  }
0x10: {  	[smem:$0x3FB6] =	sst s8  }
0x11: {  	[smem:$0x3FB7] =	sst s9;
	s0 =	simm.s32 @!p0 $0x0  }
0x12: {  	s1 =	sld [smem:$0x3F9D];
	s0 =	simm.s32 @p0 $0x1  }
0x13: {  	[smem:$0x3FB8] =	sst s0;
	s0 =	simm.s32 @!p1 $0x0  }
0x14: {  	s2 =	sld [smem:$0x3F9C];
	s0 =	simm.s32 @p1 $0x1  }
0x15: {  	[smem:$0x3FB9] =	sst s0;
	s0 =	simm.s32 @!p2 $0x0  }
0x16: {  	s3 =	sld [smem:$0x3FDB];
	s0 =	simm.s32 @p2 $0x1  }
0x17: {  	s4 =	simm.s32 $0x1BF5;
	[smem:$0x3FBB] =	sst s0  }
0x18: {  	s0 =	sld [smem:$0x3F9E];
	_ =	swait.ge [sflag:s4], $0x0  }
0x19: {  	s7 =	sld [smem:$0x3F9F]  }
0x1a: {  	s8 =	sadd.s32 $0xFFFFE003, lr  }
0x1b: {  	s9 =	sadd.s32 $0xFFFFFEF7, lr;
	s5 =	simm.s32 $0xFFFFFFFF;
	p2 =	slt.u32 s8, $0xFFFFF086  }
0x1c: {  	p1 =	slt.u32 s9, $0xF7A;
	s5 =	simm.s32 @!p2 $0x0  }
0x1d: {  	s5 =	simm.s32 @p1 $0x1;
	p0 =	seq.s32 s7, s2  }
0x1e: {  	s7 =	smul.u32 @!p0 $0xF7A, s2;
	p2 =	seq.s32 @!p0 s5, $0x0  }
0x1f: {  	s9 =	smul.u32 $0xF7A, s1;
	s8 =	simm.s32 @!p0 $0x1BF5;
	p2 =	por !p2, p0  }
0x20: {  	[sflag:s8] =	ssyncset.s32 @!p0 $0xFFFFF086;
	s6 =	sadd.s32 @!p0 s3, s7;
	s7 =	simm.s32 @!p0 $0x108  }
0x21: {  	s3 =	sadd.s32 s3, s9;
	s6 =	sadd.s32 @!p0 $0x88, s6;
	s7 =	simm.s32 @p2 $0x1082  }
0x22: {  	[simem:s7], [sflag:s8] =	dma.local @!p0 [hbm:s6], $0xF7A  }
0x23: {  	s9 =	sor.u32 $0xD0000000, s2;
	s6 =	simm.s32 $0x108;
	_ =	swait.ge @!p0 [sflag:s8], $0x0  }
0x24: {  	s3 =	sadd.s32 $0x88, s3;
	s6 =	simm.s32 @!p1 $0x1082;
	[sflag:s4] =	ssyncset.s32 $0xFFFFF086  }
0x25: {  	[simem:s6], [sflag:s4] =	dma.local [hbm:s3], $0xF7A  }
0x26: {  	[smem:$0x3F9F] =	sst s1;
	(tag) =	ssettag s2;
	_ =	strace s9  }
0x27: {  	s1 =	sld [smem:$0x3FAF]  }
0x28: {  	s2 =	sld [smem:$0x3FB0]  }
0x29: {  	s4 =	sld [smem:$0x3FB2]  }
0x2a: {  	p0 =	seq.s32 s5, $0x0;
	s5 =	sld [smem:$0x3FB3]  }
0x2b: {  	s6 =	sld [smem:$0x3FB4]  }
0x2c: {  	s7 =	sld [smem:$0x3FB5]  }
0x2d: {  	s3 =	simm.s32 $0x108;
	s8 =	sld [smem:$0x3FB6]  }
0x2e: {  	s3 =	simm.s32 @!p0 $0x1082;
	s9 =	sld [smem:$0x3FB7]  }
0x2f: {  	lr =	sadd.s32 s0, s3;
	s0 =	sld [smem:$0x3FAE]  }
0x30: {  	s3 =	sld [smem:$0x3FB1]  }
0x31: {  	[smem:$0x3FBA] =	sst s10  }
0x32: {  	s10 =	sld [smem:$0x3FB8];
	_ =	sdelay $0x3  }
0x33: {  	p0 =	seq.s32 s10, $0x1;
	s10 =	sld [smem:$0x3FBA];
	_ =	sdelay $0x3  }
0x34: {  	[smem:$0x3FBA] =	sst s10  }
0x35: {  	s10 =	sld [smem:$0x3FB9];
	_ =	sdelay $0x3  }
0x36: {  	p1 =	seq.s32 s10, $0x1;
	s10 =	sld [smem:$0x3FBA];
	_ =	sdelay $0x3  }
0x37: {  	[smem:$0x3FBA] =	sst s10  }
0x38: {  	s10 =	sld [smem:$0x3FBB]  }
0x39: {  	_ = 	snop;
	(pc) =	sbr.ind lr, $3  }
0x3a: {  	_ = 	snop  }
0x3b: {  	_ = 	snop  }
0x3c: {  	p2 =	seq.s32 s10, $0x1;
	s10 =	sld [smem:$0x3FBA]  }
0x3d: {  	_ =	shalt  }
0x3e: {  	_ =	shalt  }
0x3f: {  	_ =	shalt  }
0x40: {  	_ =	shalt  }
0x41: {  	_ =	shalt  }
0x42: {  	_ =	shalt  }
0x43: {  	_ =	shalt  }
0x44: {  	_ =	shalt  }
0x45: {  	_ =	shalt  }
0x46: {  	_ =	shalt  }
0x47: {  	_ =	shalt  }
0x48: {  	_ =	shalt  }
0x49: {  	_ =	shalt  }
0x4a: {  	_ =	shalt  }
0x4b: {  	_ =	shalt  }
0x4c: {  	_ =	shalt  }
0x4d: {  	_ =	shalt  }
0x4e: {  	_ =	shalt  }
0x4f: {  	_ =	shalt  }
0x50: {  	_ =	shalt  }
0x51: {  	_ =	shalt  }
0x52: {  	_ =	shalt  }
0x53: {  	_ =	shalt  }
0x54: {  	_ =	shalt  }
0x55: {  	_ =	shalt  }
0x56: {  	_ =	shalt  }
0x57: {  	_ =	shalt  }
0x58: {  	_ =	shalt  }
0x59: {  	_ =	shalt  }
0x5a: {  	_ =	shalt  }
0x5b: {  	_ =	shalt  }
0x5c: {  	_ =	shalt  }
0x5d: {  	_ =	shalt  }
0x5e: {  	_ =	shalt  }
0x5f: {  	_ =	shalt  }
0x60: {  	_ =	shalt  }
0x61: {  	_ =	shalt  }
0x62: {  	_ =	shalt  }
0x63: {  	_ =	shalt  }
0x64: {  	_ =	shalt  }
0x65: {  	_ =	shalt  }
0x66: {  	_ =	shalt  }
0x67: {  	_ =	shalt  }
0x68: {  	_ =	shalt  }
0x69: {  	_ =	shalt  }
0x6a: {  	_ =	shalt  }
0x6b: {  	_ =	shalt  }
0x6c: {  	_ =	shalt  }
0x6d: {  	_ =	shalt  }
0x6e: {  	_ =	shalt  }
0x6f: {  	_ =	shalt  }
0x70: {  	_ =	shalt  }
0x71: {  	_ =	shalt  }
0x72: {  	_ =	shalt  }
0x73: {  	_ =	shalt  }
0x74: {  	_ =	shalt  }
0x75: {  	_ =	shalt  }
0x76: {  	_ =	shalt  }
0x77: {  	_ =	shalt  }
0x78: {  	_ =	shalt  }
0x79: {  	_ =	shalt  }
0x7a: {  	_ =	shalt  }
0x7b: {  	_ =	shalt  }
0x7c: {  	_ =	shalt  }
0x7d: {  	_ =	shalt  }
0x7e: {  	_ =	shalt  }
0x7f: {  	_ =	shalt  }
0x80: {  	_ =	shalt  }
0x81: {  	_ =	shalt  }
0x82: {  	_ =	shalt  }
0x83: {  	_ =	shalt  }
0x84: {  	_ =	shalt  }
0x85: {  	_ =	shalt  }
0x86: {  	_ =	shalt  }
0x87: {  	_ =	shalt  }
.Lfunc_end0:
.L_simem_size_0:
called_computation_lowered:
.L_overlay_start_0:
0x88: {  	s2 =	sld [smem:$0x3FD9]  }
0x89: {  	s3 =	sld [smem:$0x3FFE];
	_ =	sdelay $0x1  }
0x8a: {  	s1 =	srdreg.scid  }
0x8b: {  	s0 =	sand.u32 $0x1, s1  }
0x8c: {  	s17 =	sshll.u32 s0, $0xA;
	s2 =	sadd.s32 s3, s2  }
0x8d: {  	s2 =	sadd.s32 s2, s17  }
0x8e: {  	[smem:$0x3FC6] =	sst s2  }
0x8f: {  	_ = 	snop  }
0x90: {  	s2 =	sld [smem:$0x3FC8]  }
0x91: {  	s18 =	sld [smem:$0x3FD0];
	(tm) =	ssettm $0x1  }
0x92: {  	s4 =	sld [smem:$0x3FFB];
	_ =	sdelay $0x3  }
0x93: {  	_ =	strace s4  }
0x94: {  	s4 =	sld [smem:$0x3FFC];
	_ =	sdelay $0x3  }
0x95: {  	_ =	strace s4  }
0x96: {  	s4 =	sld [smem:$0x3FFD];
	_ =	sdelay $0x3  }
0x97: {  	_ =	strace s4  }
0x98: {  	_ =	strace $0x8FFFFFFF  }
0x99: {  	s19 =	sld [smem:$0x3FDB];
	_ =	sdelay $0x1  }
0x9a: {  	s5 =	simm.s32 $_scs_section_size  }
0x9b: {  	s6 =	simm.s32 $_size__tile_overlayer_lowered;
	s7 =	simm.s32 $_tile_overlayer_lowered  }
0x9c: {  	s22 =	simm.s32 $0x1BFF;
	s21 =	sshll.u32 s7, $0x1;
	s4 =	sadd.s32 s5, s19  }
0x9d: {  	s8 =	simm.s32 $0x0;
	s20 =	sshll.u32 s6, $0x1;
	s6 =	sadd.s32 s21, s4  }
0x9e: {  	[timem:s8], [sflag:s22] =	dma.local [hbm:s6], s20  }
0x9f: {  	_ =	swait.ge [sflag:s22], s20  }
0xa0: {  	s5 =	ssub.s32 $0x0, s20;
	[sflag:s22] =	ssyncset.done $0x0  }
0xa1: {  	[sflag:s22] =	ssyncadd.s32 s5;
	_ =	sdelay $0x1  }
0xa2: {  	s23 =	simm.s32 $0x1B8B  }
0xa3: {  	_ =	swait.ge [sflag:s23], $0x1  }
0xa4: {  	[sflag:s23] =	ssyncset.done $0x0  }
0xa5: {  	s25 =	simm.s32 $0x1B8E;
	s24 =	sld [smem:$0x3FFE];
	[sflag:s23] =	ssyncadd.s32 $0xFFFFFFFF  }
0xa6: {  	s26 =	simm.s32 $execute0_lowered;
	[smem:$0x3FD2] =	sst s25  }
0xa7: {  	s6 =	sshll.u32 s26, $0x1;
	_ =	strace $0x80000046;
	[dreg:$0x1] =	wrdreg $0xFFFFFFFF  }
0xa8: {  	s28 =	simm.s32 $_size_execute0_lowered;
	s4 =	sadd.s32 s4, s6;
	[dreg:$0x0] =	wrdreg $0x0  }
0xa9: {  	s6 =	sshll.u32 s28, $0x1;
	[dreg:$0x2] =	wrdreg s4  }
0xaa: {  	[dreg:$0x3] =	wrdreg s6  }
0xab: {  	[dreg:$0x4] =	wrdreg $0xC0  }
0xac: {  	_ =	task [dreg:s8], $0x5FFFF  }
0xad: {  	[dreg:$0x1] =	wrdreg $0xFFFFFFFF  }
0xae: {  	[dreg:$0x0] =	wrdreg $0x60  }
0xaf: {  	[dreg:$0x2] =	wrdreg s24  }
0xb0: {  	[dreg:$0x3] =	wrdreg s2  }
0xb1: {  	[dreg:$0x4] =	wrdreg s18  }
0xb2: {  	[dreg:$0x5] =	wrdreg $0x9  }
0xb3: {  	_ =	task.clear_ibuf [dreg:s8], $0x6FFFF;
	_ =	strace $0x90000046  }
0xb4: {  	s29 =	simm.s32 $0x9;
	_ =	strace $0x80000048  }
0xb5: {  	_ =	swait.ge [sflag:s29], $0x1  }
0xb6: {  	[sflag:s29] =	ssyncadd.s32 $0xFFFFFFFF  }
0xb7: {  	_ =	strace $0x90000048  }
0xb8: {  	_ =	sfence  }
0xb9: {  	s30 =	sld [smem:$0x0];
	_ =	sdelay $0x2  }
0xba: {  	s31 =	sshll.u32 s1, $0xD;
	s1 =	sshrl.u32 s1, $0x2  }
0xbb: {  	s3 =	sand.u32 $0x4000, s31;
	s1 =	sadd.s32 s1, s30  }
0xbc: {  	s0 =	sor.u32 s3, s0;
	s1 =	sshll.u32 s1, $0x11  }
0xbd: {  	s0 =	sor.u32 s1, s0  }
0xbe: {  	s0 =	sadd.s32 $0x8F2B, s0  }
0xbf: {  	[sflag:s0] =	ssyncadd.remote.s32 $0x1  }
0xc0: {  	_ =	sfence.sel $0xFFFF  }
0xc1: {  	[dreg:$0x0] =	wrdreg $0xFFFFFFFF;
	(pc) =	sbr.abs _section_cstart, $3  }
0xc2: {  	[dreg:$0x1] =	wrdreg $0xFFFFFFFF  }
0xc3: {  	_ =	task.clear_ibuf [dreg:s8], $0x2FFFF;
	_ =	strace $0x9FFFFFFF  }
0xc4: {  	(tm) =	ssettm $0x7FFFFFFF  }
0xc5: {  	_ =	shalt  }
tec
execute0_lowered:
.L_overlay_start_1:
0x0: {  	(tag) =	ssettag $0x1  }
0x1: {  	s0 =	rddreg [dreg:$0x0]  }
0x2: {  	s2 =	rddreg [dreg:$0x1]  }
0x3: {  	s1 =	srdreg.scid;
	s9 =	stileid.u32  }
0x4: {  	s4 =	rddreg [dreg:$0x2];
	s3 =	simm.s32 $0x0;
	s30 =	simm.s32 $0x680  }
0x5: {  	s29 =	simm.s32 $0x8680;
	s28 =	simm.s32 $0x8E80;
	s16 =	simm.s32 $0x9E80  }
0x6: {  	s15 =	simm.s32 $0x10680;
	s12 =	simm.s32 $0x11680;
	s31 =	simm.s32 $0x11E80  }
0x7: {  	s11 =	simm.s32 $0x4;
	s13 =	simm.s32 $0x3;
	s18 =	smul.u32 $0xC80, s9  }
0x8: {  	s1 =	sand.u32 $0x1, s1;
	s5 =	sshll.u32 s9, $0x1;
	s9 =	smul.u32 $0x32000, s9  }
0x9: {  	s14 =	simm.s32 $0x0;
	[smem:$0x7FF] =	sst s3;
	s20 =	smul.u32 $0x640, s1  }
0xa: {  	s5 =	sor.u32 s1, s5;
	s7 =	ssub.s32 $0x2, s1;
	s1 =	smul.u32 $0x19000, s1  }
0xb: {  	_ =	strace $0x80000047;
	[dreg:$0xd] =	wrdreg s14;
	s6 =	smul.u32 $0x640, s5  }
0xc: {  	s8 =	sshrl.u32 s7, $0x1;
	s5 =	smul.u32 $0xC8000, s5;
	s22 =	sadd.s32 s9, s4  }
0xd: {  	s9 =	simm.s32 $0xF680;
	s17 =	ssub.s32 s7, s8;
	s7 =	sadd.s32 s20, s18  }
0xe: {  	s1 =	sadd.s32 s1, s22;
	s18 =	simm.s32 $0xBE80;
	s20 =	simm.s32 $0xDE80  }
0xf: {  	s8 =	simm.s32 $0xE680;
	s22 =	simm.s32 $0xFE80;
	s6 =	sshrl.u32 s6, $0x3  }
0x10: {  	s19 =	sshrl.u32 s5, $0x3;
	s5 =	sadd.s32 $0x100, s2;
	s0 =	sadd.s32 s6, s0  }
0x11: {  	s7 =	sshll.u32 s7, $0x6;
	[dreg:$0x4] =	wrdreg s1;
	s0 =	sadd.s32 $0x400, s0  }
0x12: {  	s25 =	smax.u32 s17, $0x1;
	[dreg:$0x7] =	wrdreg s0;
	s0 =	sadd.s32 s4, s19  }
0x13: {  	s1 =	simm.s32 $0x9680;
	[dreg:$0xc] =	wrdreg s25;
	s10 =	sadd.s32 $0x15000, s0  }
0x14: {  	s17 =	simm.s32 $0xAE80;
	s21 =	sadd.s32 $0x16000, s0;
	[dreg:$0x8] =	wrdreg s10  }
0x15: {  	s6 =	simm.s32 $0xC680;
	s23 =	sadd.s32 $0x17000, s0;
	[dreg:$0x9] =	wrdreg s21  }
0x16: {  	s4 =	sadd.s32 s4, s7;
	s0 =	sadd.s32 $0x18000, s0;
	[dreg:$0xa] =	wrdreg s23  }
0x17: {  	s25 =	simm.s32 $0x5;
	s24 =	sadd.s32 $0x1000, s4;
	[dreg:$0xb] =	wrdreg s0  }
0x18: {  	s19 =	simm.s32 $0xCE80;
	s26 =	sadd.s32 $0x2000, s4;
	[dreg:$0x5] =	wrdreg s24  }
0x19: {  	v2 =	vlaneseq.u32;
	s7 =	simm.s32 $0xD680;
	s4 =	simm.s32 $0xB680;
	[dreg:$0x6] =	wrdreg s26  }
0x1a: {  	vm0 =	vmmov $0xffff;
	v1 =	vshrl.u32 v2, $0x3;
	s0 =	simm.s32 $0xA680;
	s21 =	simm.s32 $0xEE80;
	s10 =	simm.s32 $0x10E80  }
0x1b: {  	v0 =	vand.u32 $0x7, v2;
	v2 =	vor.u32 $0x8, v2;
	v1 =	vmul.u32 $0x8, v1;
	s23 =	simm.s32 $0x1;
	s24 =	simm.s32 $0x2;
	s26 =	simm.s32 $0x6  }
.LBB2_1:
0x1c: {  	s14 =	rddreg [dreg:$0x7]  }
0x1d: {  	[tilespmem:s3], [sflag:$0x7] =	stream.linear.gather [hbm4b:s14+s3], $0x640, $0x38;
	[tilespmem:$0x18680] =	vst v63  }
0x1e: {  	s14 =	simm.s32 $0x7  }
0x1f: {  	_ =	swait.ge [sflag:s14], $0x640  }
0x20: {  	[sflag:s14] =	ssyncset.done $0x0  }
0x21: {  	[sflag:s14] =	ssyncadd.s32 $0xFFFFF9C0  }
0x22: {  	v3 =	vld [tilespmem:$0x0];
	_ =	sdelay $0x4  }
0x23: {  	v4 =	vshll.u32 v3, $0x2  }
0x24: {  	v3 =	vand.u32 $0x7, v3;
	v4 =	vand.u32 $0xFFFFFFE0, v4  }
0x25: {  	v3 =	vor.u32 v3, v4  }
0x26: {  	v4 =	vperm.xlane v3, v0;
	_ =	sdelay $0x1  }
0x27: {  	v4 =	vadd.s32 v1, v4;
	_ =	sdelay $0x1  }
0x28: {  	v3 =	vperm.xlane v3, v2;
	_ =	sdelay $0x1  }
0x29: {  	v3 =	vadd.s32 v1, v3  }
0x2a: {  	[tilespmem:s30], [sflag:$0x1] =	stream.indirect_vreg.gather [hbm4b:s2+s3], $0x80, v4, vm0, $0xb8;
	[tilespmem:$0x18680] =	vst v63  }
0x2b: {  	s14 =	simm.s32 $0xE80  }
0x2c: {  	[tilespmem:s14], [sflag:$0x1] =	stream.indirect_vreg.gather [hbm4b:s5+s3], $0x80, v4, vm0, $0xb8;
	[tilespmem:$0x18680] =	vst v63  }
0x2d: {  	s14 =	simm.s32 $0x1680  }
0x2e: {  	[tilespmem:s14], [sflag:$0x1] =	stream.indirect_vreg.gather [hbm4b:s2+s3], $0x80, v3, vm0, $0xb8;
	[tilespmem:$0x18680] =	vst v63  }
0x2f: {  	s14 =	simm.s32 $0x1E80  }
0x30: {  	[tilespmem:s14], [sflag:$0x1] =	stream.indirect_vreg.gather [hbm4b:s5+s3], $0x80, v3, vm0, $0xb8;
	[tilespmem:$0x18680] =	vst v63  }
0x31: {  	v3 =	vld [tilespmem:$0x10];
	_ =	sdelay $0x4  }
0x32: {  	v53 =	vshll.u32 v3, $0x2  }
0x33: {  	v3 =	vand.u32 $0x7, v3;
	v4 =	vand.u32 $0xFFFFFFE0, v53  }
0x34: {  	v3 =	vor.u32 v3, v4  }
0x35: {  	v4 =	vperm.xlane v3, v0;
	_ =	sdelay $0x1  }
0x36: {  	v4 =	vadd.s32 v1, v4;
	_ =	sdelay $0x1  }
0x37: {  	v3 =	vperm.xlane v3, v2;
	_ =	sdelay $0x1  }
0x38: {  	s14 =	simm.s32 $0x2680;
	v3 =	vadd.s32 v1, v3  }
0x39: {  	[tilespmem:s14], [sflag:$0x1] =	stream.indirect_vreg.gather [hbm4b:s2+s3], $0x80, v4, vm0, $0xb8;
	[tilespmem:$0x18680] =	vst v63  }
0x3a: {  	s14 =	simm.s32 $0x2E80  }
0x3b: {  	[tilespmem:s14], [sflag:$0x1] =	stream.indirect_vreg.gather [hbm4b:s5+s3], $0x80, v4, vm0, $0xb8;
	[tilespmem:$0x18680] =	vst v63  }
0x3c: {  	s14 =	simm.s32 $0x3680  }
0x3d: {  	[tilespmem:s14], [sflag:$0x1] =	stream.indirect_vreg.gather [hbm4b:s2+s3], $0x80, v3, vm0, $0xb8;
	[tilespmem:$0x18680] =	vst v63  }
0x3e: {  	s14 =	simm.s32 $0x3E80  }
0x3f: {  	[tilespmem:s14], [sflag:$0x1] =	stream.indirect_vreg.gather [hbm4b:s5+s3], $0x80, v3, vm0, $0xb8;
	[tilespmem:$0x18680] =	vst v63  }
0x40: {  	v3 =	vld [tilespmem:$0x20];
	_ =	sdelay $0x4  }
0x41: {  	v54 =	vshll.u32 v3, $0x2  }
0x42: {  	v3 =	vand.u32 $0x7, v3;
	v4 =	vand.u32 $0xFFFFFFE0, v54  }
0x43: {  	v3 =	vor.u32 v3, v4  }
0x44: {  	v4 =	vperm.xlane v3, v0;
	_ =	sdelay $0x1  }
0x45: {  	v4 =	vadd.s32 v1, v4;
	_ =	sdelay $0x1  }
0x46: {  	v3 =	vperm.xlane v3, v2;
	_ =	sdelay $0x1  }
0x47: {  	s14 =	simm.s32 $0x4680;
	v3 =	vadd.s32 v1, v3  }
0x48: {  	[tilespmem:s14], [sflag:$0x1] =	stream.indirect_vreg.gather [hbm4b:s2+s3], $0x80, v4, vm0, $0xb8;
	[tilespmem:$0x18680] =	vst v63  }
0x49: {  	s14 =	simm.s32 $0x4E80  }
0x4a: {  	[tilespmem:s14], [sflag:$0x1] =	stream.indirect_vreg.gather [hbm4b:s5+s3], $0x80, v4, vm0, $0xb8;
	[tilespmem:$0x18680] =	vst v63  }
0x4b: {  	s14 =	simm.s32 $0x5680  }
0x4c: {  	[tilespmem:s14], [sflag:$0x1] =	stream.indirect_vreg.gather [hbm4b:s2+s3], $0x80, v3, vm0, $0xb8;
	[tilespmem:$0x18680] =	vst v63  }
0x4d: {  	s14 =	simm.s32 $0x5E80  }
0x4e: {  	[tilespmem:s14], [sflag:$0x1] =	stream.indirect_vreg.gather [hbm4b:s5+s3], $0x80, v3, vm0, $0xb8;
	[tilespmem:$0x18680] =	vst v63  }
0x4f: {  	v3 =	vld [tilespmem:$0x30];
	_ =	sdelay $0x4  }
0x50: {  	v55 =	vshll.u32 v3, $0x2  }
0x51: {  	v3 =	vand.u32 $0x7, v3;
	v4 =	vand.u32 $0xFFFFFFE0, v55  }
0x52: {  	v3 =	vor.u32 v3, v4  }
0x53: {  	v4 =	vperm.xlane v3, v0;
	_ =	sdelay $0x1  }
0x54: {  	v4 =	vadd.s32 v1, v4;
	_ =	sdelay $0x1  }
0x55: {  	v3 =	vperm.xlane v3, v2;
	_ =	sdelay $0x1  }
0x56: {  	s14 =	simm.s32 $0x6680;
	v3 =	vadd.s32 v1, v3  }
0x57: {  	[tilespmem:s14], [sflag:$0x1] =	stream.indirect_vreg.gather [hbm4b:s2+s3], $0x80, v4, vm0, $0xb8;
	[tilespmem:$0x18680] =	vst v63  }
0x58: {  	s14 =	simm.s32 $0x6E80  }
0x59: {  	[tilespmem:s14], [sflag:$0x1] =	stream.indirect_vreg.gather [hbm4b:s5+s3], $0x80, v4, vm0, $0xb8;
	[tilespmem:$0x18680] =	vst v63  }
0x5a: {  	s14 =	simm.s32 $0x7680  }
0x5b: {  	[tilespmem:s14], [sflag:$0x1] =	stream.indirect_vreg.gather [hbm4b:s2+s3], $0x80, v3, vm0, $0xb8;
	[tilespmem:$0x18680] =	vst v63  }
0x5c: {  	s14 =	simm.s32 $0x7E80  }
0x5d: {  	[tilespmem:s14], [sflag:$0x1] =	stream.indirect_vreg.gather [hbm4b:s5+s3], $0x80, v3, vm0, $0xb8;
	[tilespmem:$0x18680] =	vst v63  }
0x5e: {  	v3 =	vld [tilespmem:$0x40];
	_ =	sdelay $0x4  }
0x5f: {  	v56 =	vshll.u32 v3, $0x2  }
0x60: {  	v3 =	vand.u32 $0x7, v3;
	v4 =	vand.u32 $0xFFFFFFE0, v56  }
0x61: {  	v3 =	vor.u32 v3, v4  }
0x62: {  	v4 =	vperm.xlane v3, v0;
	_ =	sdelay $0x1  }
0x63: {  	v4 =	vadd.s32 v1, v4;
	_ =	sdelay $0x1  }
0x64: {  	v3 =	vperm.xlane v3, v2;
	_ =	sdelay $0x1  }
0x65: {  	v3 =	vadd.s32 v1, v3  }
0x66: {  	[tilespmem:s29], [sflag:$0x2] =	stream.indirect_vreg.gather [hbm4b:s2+s3], $0x80, v4, vm0, $0xb8;
	[tilespmem:$0x18680] =	vst v63  }
0x67: {  	_ = 	snop  }
0x68: {  	[tilespmem:s28], [sflag:$0x2] =	stream.indirect_vreg.gather [hbm4b:s5+s3], $0x80, v4, vm0, $0xb8;
	[tilespmem:$0x18680] =	vst v63  }
0x69: {  	_ = 	snop  }
0x6a: {  	[tilespmem:s1], [sflag:$0x2] =	stream.indirect_vreg.gather [hbm4b:s2+s3], $0x80, v3, vm0, $0xb8;
	[tilespmem:$0x18680] =	vst v63  }
0x6b: {  	_ = 	snop  }
0x6c: {  	[tilespmem:s16], [sflag:$0x2] =	stream.indirect_vreg.gather [hbm4b:s5+s3], $0x80, v3, vm0, $0xb8;
	[tilespmem:$0x18680] =	vst v63  }
0x6d: {  	v3 =	vld [tilespmem:$0x50];
	_ =	sdelay $0x4  }
0x6e: {  	v57 =	vshll.u32 v3, $0x2  }
0x6f: {  	v3 =	vand.u32 $0x7, v3;
	v4 =	vand.u32 $0xFFFFFFE0, v57  }
0x70: {  	v3 =	vor.u32 v3, v4  }
0x71: {  	v4 =	vperm.xlane v3, v0;
	_ =	sdelay $0x1  }
0x72: {  	v4 =	vadd.s32 v1, v4;
	_ =	sdelay $0x1  }
0x73: {  	v3 =	vperm.xlane v3, v2;
	_ =	sdelay $0x1  }
0x74: {  	v3 =	vadd.s32 v1, v3  }
0x75: {  	[tilespmem:s0], [sflag:$0x2] =	stream.indirect_vreg.gather [hbm4b:s2+s3], $0x80, v4, vm0, $0xb8;
	[tilespmem:$0x18680] =	vst v63  }
0x76: {  	_ = 	snop  }
0x77: {  	[tilespmem:s17], [sflag:$0x2] =	stream.indirect_vreg.gather [hbm4b:s5+s3], $0x80, v4, vm0, $0xb8;
	[tilespmem:$0x18680] =	vst v63  }
0x78: {  	_ = 	snop  }
0x79: {  	[tilespmem:s4], [sflag:$0x2] =	stream.indirect_vreg.gather [hbm4b:s2+s3], $0x80, v3, vm0, $0xb8;
	[tilespmem:$0x18680] =	vst v63  }
0x7a: {  	_ = 	snop  }
0x7b: {  	[tilespmem:s18], [sflag:$0x2] =	stream.indirect_vreg.gather [hbm4b:s5+s3], $0x80, v3, vm0, $0xb8;
	[tilespmem:$0x18680] =	vst v63  }
0x7c: {  	v3 =	vld [tilespmem:$0x60];
	_ =	sdelay $0x4  }
0x7d: {  	v58 =	vshll.u32 v3, $0x2  }
0x7e: {  	v3 =	vand.u32 $0x7, v3;
	v4 =	vand.u32 $0xFFFFFFE0, v58  }
0x7f: {  	v3 =	vor.u32 v3, v4  }
0x80: {  	v4 =	vperm.xlane v3, v0;
	_ =	sdelay $0x1  }
0x81: {  	v4 =	vadd.s32 v1, v4;
	_ =	sdelay $0x1  }
0x82: {  	v3 =	vperm.xlane v3, v2;
	_ =	sdelay $0x1  }
0x83: {  	v3 =	vadd.s32 v1, v3  }
0x84: {  	[tilespmem:s6], [sflag:$0x2] =	stream.indirect_vreg.gather [hbm4b:s2+s3], $0x80, v4, vm0, $0xb8;
	[tilespmem:$0x18680] =	vst v63  }
0x85: {  	_ = 	snop  }
0x86: {  	[tilespmem:s19], [sflag:$0x2] =	stream.indirect_vreg.gather [hbm4b:s5+s3], $0x80, v4, vm0, $0xb8;
	[tilespmem:$0x18680] =	vst v63  }
0x87: {  	_ = 	snop  }
0x88: {  	[tilespmem:s7], [sflag:$0x2] =	stream.indirect_vreg.gather [hbm4b:s2+s3], $0x80, v3, vm0, $0xb8;
	[tilespmem:$0x18680] =	vst v63  }
0x89: {  	_ = 	snop  }
0x8a: {  	[tilespmem:s20], [sflag:$0x2] =	stream.indirect_vreg.gather [hbm4b:s5+s3], $0x80, v3, vm0, $0xb8;
	[tilespmem:$0x18680] =	vst v63  }
0x8b: {  	v3 =	vld [tilespmem:$0x70];
	_ =	sdelay $0x4  }
0x8c: {  	v59 =	vshll.u32 v3, $0x2  }
0x8d: {  	v3 =	vand.u32 $0x7, v3;
	v4 =	vand.u32 $0xFFFFFFE0, v59  }
0x8e: {  	v3 =	vor.u32 v3, v4  }
0x8f: {  	v4 =	vperm.xlane v3, v0;
	_ =	sdelay $0x1  }
0x90: {  	v4 =	vadd.s32 v1, v4;
	_ =	sdelay $0x1  }
0x91: {  	v3 =	vperm.xlane v3, v2;
	_ =	sdelay $0x1  }
0x92: {  	v3 =	vadd.s32 v1, v3  }
0x93: {  	[tilespmem:s8], [sflag:$0x2] =	stream.indirect_vreg.gather [hbm4b:s2+s3], $0x80, v4, vm0, $0xb8;
	[tilespmem:$0x18680] =	vst v63  }
0x94: {  	_ = 	snop  }
0x95: {  	[tilespmem:s21], [sflag:$0x2] =	stream.indirect_vreg.gather [hbm4b:s5+s3], $0x80, v4, vm0, $0xb8;
	[tilespmem:$0x18680] =	vst v63  }
0x96: {  	_ = 	snop  }
0x97: {  	[tilespmem:s9], [sflag:$0x2] =	stream.indirect_vreg.gather [hbm4b:s2+s3], $0x80, v3, vm0, $0xb8;
	[tilespmem:$0x18680] =	vst v63  }
0x98: {  	_ = 	snop  }
0x99: {  	[tilespmem:s22], [sflag:$0x2] =	stream.indirect_vreg.gather [hbm4b:s5+s3], $0x80, v3, vm0, $0xb8;
	[tilespmem:$0x18680] =	vst v63  }
0x9a: {  	v3 =	vld [tilespmem:$0x80];
	_ =	sdelay $0x4  }
0x9b: {  	v60 =	vshll.u32 v3, $0x2  }
0x9c: {  	v3 =	vand.u32 $0x7, v3;
	v4 =	vand.u32 $0xFFFFFFE0, v60  }
0x9d: {  	v3 =	vor.u32 v3, v4  }
0x9e: {  	v4 =	vperm.xlane v3, v0;
	_ =	sdelay $0x1  }
0x9f: {  	v4 =	vadd.s32 v1, v4;
	_ =	sdelay $0x1  }
0xa0: {  	v3 =	vperm.xlane v3, v2;
	_ =	sdelay $0x1  }
0xa1: {  	v3 =	vadd.s32 v1, v3  }
0xa2: {  	[tilespmem:s15], [sflag:$0x3] =	stream.indirect_vreg.gather [hbm4b:s2+s3], $0x80, v4, vm0, $0xb8;
	[tilespmem:$0x18680] =	vst v63  }
0xa3: {  	_ = 	snop  }
0xa4: {  	[tilespmem:s10], [sflag:$0x3] =	stream.indirect_vreg.gather [hbm4b:s5+s3], $0x80, v4, vm0, $0xb8;
	[tilespmem:$0x18680] =	vst v63  }
0xa5: {  	_ = 	snop  }
0xa6: {  	[tilespmem:s12], [sflag:$0x3] =	stream.indirect_vreg.gather [hbm4b:s2+s3], $0x80, v3, vm0, $0xb8;
	[tilespmem:$0x18680] =	vst v63  }
0xa7: {  	_ = 	snop  }
0xa8: {  	[tilespmem:s31], [sflag:$0x3] =	stream.indirect_vreg.gather [hbm4b:s5+s3], $0x80, v3, vm0, $0xb8;
	[tilespmem:$0x18680] =	vst v63  }
0xa9: {  	v3 =	vld [tilespmem:$0x90];
	_ =	sdelay $0x4  }
0xaa: {  	v61 =	vshll.u32 v3, $0x2  }
0xab: {  	v3 =	vand.u32 $0x7, v3;
	v4 =	vand.u32 $0xFFFFFFE0, v61  }
0xac: {  	v3 =	vor.u32 v3, v4  }
0xad: {  	v4 =	vperm.xlane v3, v0;
	_ =	sdelay $0x1  }
0xae: {  	v4 =	vadd.s32 v1, v4;
	_ =	sdelay $0x1  }
0xaf: {  	v3 =	vperm.xlane v3, v2;
	_ =	sdelay $0x1  }
0xb0: {  	s16 =	simm.s32 $0x12680;
	v3 =	vadd.s32 v1, v3  }
0xb1: {  	[tilespmem:s16], [sflag:$0x3] =	stream.indirect_vreg.gather [hbm4b:s2+s3], $0x80, v4, vm0, $0xb8;
	[tilespmem:$0x18680] =	vst v63  }
0xb2: {  	s17 =	simm.s32 $0x12E80  }
0xb3: {  	[tilespmem:s17], [sflag:$0x3] =	stream.indirect_vreg.gather [hbm4b:s5+s3], $0x80, v4, vm0, $0xb8;
	[tilespmem:$0x18680] =	vst v63  }
0xb4: {  	s18 =	simm.s32 $0x13680  }
0xb5: {  	[tilespmem:s18], [sflag:$0x3] =	stream.indirect_vreg.gather [hbm4b:s2+s3], $0x80, v3, vm0, $0xb8;
	[tilespmem:$0x18680] =	vst v63  }
0xb6: {  	s19 =	simm.s32 $0x13E80  }
0xb7: {  	[tilespmem:s19], [sflag:$0x3] =	stream.indirect_vreg.gather [hbm4b:s5+s3], $0x80, v3, vm0, $0xb8;
	[tilespmem:$0x18680] =	vst v63  }
0xb8: {  	v3 =	vld [tilespmem:$0xA0];
	_ =	sdelay $0x4  }
0xb9: {  	v62 =	vshll.u32 v3, $0x2  }
0xba: {  	v3 =	vand.u32 $0x7, v3;
	v4 =	vand.u32 $0xFFFFFFE0, v62  }
0xbb: {  	v3 =	vor.u32 v3, v4  }
0xbc: {  	v4 =	vperm.xlane v3, v0;
	_ =	sdelay $0x1  }
0xbd: {  	v4 =	vadd.s32 v1, v4;
	_ =	sdelay $0x1  }
0xbe: {  	v3 =	vperm.xlane v3, v2;
	_ =	sdelay $0x1  }
0xbf: {  	s20 =	simm.s32 $0x14680;
	v3 =	vadd.s32 v1, v3  }
0xc0: {  	[tilespmem:s20], [sflag:$0x3] =	stream.indirect_vreg.gather [hbm4b:s2+s3], $0x80, v4, vm0, $0xb8;
	[tilespmem:$0x18680] =	vst v63  }
0xc1: {  	s21 =	simm.s32 $0x14E80  }
0xc2: {  	[tilespmem:s21], [sflag:$0x3] =	stream.indirect_vreg.gather [hbm4b:s5+s3], $0x80, v4, vm0, $0xb8;
	[tilespmem:$0x18680] =	vst v63  }
0xc3: {  	s22 =	simm.s32 $0x15680  }
0xc4: {  	[tilespmem:s22], [sflag:$0x3] =	stream.indirect_vreg.gather [hbm4b:s2+s3], $0x80, v3, vm0, $0xb8;
	[tilespmem:$0x18680] =	vst v63  }
0xc5: {  	s29 =	simm.s32 $0x15E80  }
0xc6: {  	[tilespmem:s29], [sflag:$0x3] =	stream.indirect_vreg.gather [hbm4b:s5+s3], $0x80, v3, vm0, $0xb8;
	[tilespmem:$0x18680] =	vst v63  }
0xc7: {  	v3 =	vld [tilespmem:$0xB0];
	_ =	sdelay $0x4  }
0xc8: {  	v63 =	vshll.u32 v3, $0x2  }
0xc9: {  	v3 =	vand.u32 $0x7, v3;
	v4 =	vand.u32 $0xFFFFFFE0, v63  }
0xca: {  	v3 =	vor.u32 v3, v4  }
0xcb: {  	v4 =	vperm.xlane v3, v0;
	_ =	sdelay $0x1  }
0xcc: {  	v4 =	vadd.s32 v1, v4;
	_ =	sdelay $0x1  }
0xcd: {  	s30 =	simm.s32 $0x170;
	s28 =	simm.s32 $0x0;
	s0 =	simm.s32 $0x16680;
	v3 =	vperm.xlane v3, v2  }
0xce: {  	s4 =	simm.s32 $0x17E80;
	s6 =	simm.s32 $0xC680;
	s7 =	simm.s32 $0xD680  }
0xcf: {  	s8 =	simm.s32 $0xE680;
	s9 =	simm.s32 $0xF680;
	s10 =	simm.s32 $0x10E80;
	v3 =	vadd.s32 v1, v3  }
0xd0: {  	[tilespmem:s0], [sflag:$0x3] =	stream.indirect_vreg.gather [hbm4b:s2+s3], $0x80, v4, vm0, $0xb8;
	[tilespmem:$0x18680] =	vst v63  }
0xd1: {  	s12 =	simm.s32 $0x11680;
	s31 =	simm.s32 $0x17680;
	s17 =	simm.s32 $0x16E80  }
0xd2: {  	[tilespmem:s17], [sflag:$0x3] =	stream.indirect_vreg.gather [hbm4b:s5+s3], $0x80, v4, vm0, $0xb8;
	[tilespmem:$0x18680] =	vst v63  }
0xd3: {  	s16 =	simm.s32 $0x11E80;
	s18 =	simm.s32 $0xBE80;
	s19 =	simm.s32 $0xCE80  }
0xd4: {  	[tilespmem:s31], [sflag:$0x3] =	stream.indirect_vreg.gather [hbm4b:s2+s3], $0x80, v3, vm0, $0xb8;
	[tilespmem:$0x18680] =	vst v63  }
0xd5: {  	s20 =	simm.s32 $0xDE80;
	s21 =	simm.s32 $0xEE80;
	s22 =	simm.s32 $0xFE80  }
0xd6: {  	[tilespmem:s4], [sflag:$0x3] =	stream.indirect_vreg.gather [hbm4b:s5+s3], $0x80, v3, vm0, $0xb8;
	[tilespmem:$0x18680] =	vst v63  }
.LBB2_2:
0xd7: {  	_ =	swait.ge [sflag:s23], $0x8000  }
0xd8: {  	s14 =	rddreg [dreg:$0x4];
	[sflag:s23] =	ssyncset.done $0x0  }
0xd9: {  	s29 =	simm.s32 $0x680;
	[sflag:s23] =	ssyncadd.s32 $0xFFFF8000;
	s14 =	sadd.s32 s28, s14  }
0xda: {  	[hbm4b:s14+s3] =	stream.linear.scatter [tilespmem:s29], [sflag:$0x4], $0x8000, $0x38;
	[tilespmem:$0x18680] =	vst v63  }
0xdb: {  	_ =	swait.ge [sflag:s11], $0x8000  }
0xdc: {  	[sflag:s11] =	ssyncset.done $0x0  }
0xdd: {  	[sflag:s11] =	ssyncadd.s32 $0xFFFF8000  }
0xde: {  	v3 =	vld [tilespmem:s30+$0xFFFFFF50];
	_ =	sdelay $0x4  }
0xdf: {  	v4 =	vshll.u32 v3, $0x2  }
0xe0: {  	v3 =	vand.u32 $0x7, v3;
	v4 =	vand.u32 $0xFFFFFFE0, v4  }
0xe1: {  	v3 =	vor.u32 v3, v4  }
0xe2: {  	v4 =	vperm.xlane v3, v0;
	_ =	sdelay $0x1  }
0xe3: {  	v4 =	vadd.s32 v1, v4;
	_ =	sdelay $0x1  }
0xe4: {  	v3 =	vperm.xlane v3, v2;
	_ =	sdelay $0x1  }
0xe5: {  	v3 =	vadd.s32 v1, v3  }
0xe6: {  	[tilespmem:s29], [sflag:$0x1] =	stream.indirect_vreg.gather [hbm4b:s2+s3], $0x80, v4, vm0, $0xb8;
	[tilespmem:$0x18680] =	vst v63  }
0xe7: {  	s15 =	simm.s32 $0xE80  }
0xe8: {  	[tilespmem:s15], [sflag:$0x1] =	stream.indirect_vreg.gather [hbm4b:s5+s3], $0x80, v4, vm0, $0xb8;
	[tilespmem:$0x18680] =	vst v63  }
0xe9: {  	s1 =	simm.s32 $0x1680  }
0xea: {  	[tilespmem:s1], [sflag:$0x1] =	stream.indirect_vreg.gather [hbm4b:s2+s3], $0x80, v3, vm0, $0xb8;
	[tilespmem:$0x18680] =	vst v63  }
0xeb: {  	s15 =	simm.s32 $0x1E80  }
0xec: {  	[tilespmem:s15], [sflag:$0x1] =	stream.indirect_vreg.gather [hbm4b:s5+s3], $0x80, v3, vm0, $0xb8;
	[tilespmem:$0x18680] =	vst v63  }
0xed: {  	v3 =	vld [tilespmem:s30+$0xFFFFFF60];
	_ =	sdelay $0x4  }
0xee: {  	v53 =	vshll.u32 v3, $0x2  }
0xef: {  	v3 =	vand.u32 $0x7, v3;
	v4 =	vand.u32 $0xFFFFFFE0, v53  }
0xf0: {  	v3 =	vor.u32 v3, v4  }
0xf1: {  	v4 =	vperm.xlane v3, v0;
	_ =	sdelay $0x1  }
0xf2: {  	v4 =	vadd.s32 v1, v4;
	_ =	sdelay $0x1  }
0xf3: {  	v3 =	vperm.xlane v3, v2;
	_ =	sdelay $0x1  }
0xf4: {  	s1 =	simm.s32 $0x2680;
	v3 =	vadd.s32 v1, v3  }
0xf5: {  	[tilespmem:s1], [sflag:$0x1] =	stream.indirect_vreg.gather [hbm4b:s2+s3], $0x80, v4, vm0, $0xb8;
	[tilespmem:$0x18680] =	vst v63  }
0xf6: {  	s15 =	simm.s32 $0x2E80  }
0xf7: {  	[tilespmem:s15], [sflag:$0x1] =	stream.indirect_vreg.gather [hbm4b:s5+s3], $0x80, v4, vm0, $0xb8;
	[tilespmem:$0x18680] =	vst v63  }
0xf8: {  	s1 =	simm.s32 $0x3680  }
0xf9: {  	[tilespmem:s1], [sflag:$0x1] =	stream.indirect_vreg.gather [hbm4b:s2+s3], $0x80, v3, vm0, $0xb8;
	[tilespmem:$0x18680] =	vst v63  }
0xfa: {  	s15 =	simm.s32 $0x3E80  }
0xfb: {  	[tilespmem:s15], [sflag:$0x1] =	stream.indirect_vreg.gather [hbm4b:s5+s3], $0x80, v3, vm0, $0xb8;
	[tilespmem:$0x18680] =	vst v63  }
0xfc: {  	v3 =	vld [tilespmem:s30+$0xFFFFFF70];
	_ =	sdelay $0x4  }
0xfd: {  	v54 =	vshll.u32 v3, $0x2  }
0xfe: {  	v3 =	vand.u32 $0x7, v3;
	v4 =	vand.u32 $0xFFFFFFE0, v54  }
0xff: {  	v3 =	vor.u32 v3, v4  }
0x100: {  	v4 =	vperm.xlane v3, v0;
	_ =	sdelay $0x1  }
0x101: {  	v4 =	vadd.s32 v1, v4;
	_ =	sdelay $0x1  }
0x102: {  	v3 =	vperm.xlane v3, v2;
	_ =	sdelay $0x1  }
0x103: {  	s1 =	simm.s32 $0x4680;
	v3 =	vadd.s32 v1, v3  }
0x104: {  	[tilespmem:s1], [sflag:$0x1] =	stream.indirect_vreg.gather [hbm4b:s2+s3], $0x80, v4, vm0, $0xb8;
	[tilespmem:$0x18680] =	vst v63  }
0x105: {  	s15 =	simm.s32 $0x4E80  }
0x106: {  	[tilespmem:s15], [sflag:$0x1] =	stream.indirect_vreg.gather [hbm4b:s5+s3], $0x80, v4, vm0, $0xb8;
	[tilespmem:$0x18680] =	vst v63  }
0x107: {  	s1 =	simm.s32 $0x5680  }
0x108: {  	[tilespmem:s1], [sflag:$0x1] =	stream.indirect_vreg.gather [hbm4b:s2+s3], $0x80, v3, vm0, $0xb8;
	[tilespmem:$0x18680] =	vst v63  }
0x109: {  	s15 =	simm.s32 $0x5E80  }
0x10a: {  	[tilespmem:s15], [sflag:$0x1] =	stream.indirect_vreg.gather [hbm4b:s5+s3], $0x80, v3, vm0, $0xb8;
	[tilespmem:$0x18680] =	vst v63  }
0x10b: {  	v3 =	vld [tilespmem:s30+$0xFFFFFF80];
	_ =	sdelay $0x4  }
0x10c: {  	v55 =	vshll.u32 v3, $0x2  }
0x10d: {  	v3 =	vand.u32 $0x7, v3;
	v4 =	vand.u32 $0xFFFFFFE0, v55  }
0x10e: {  	v3 =	vor.u32 v3, v4  }
0x10f: {  	v4 =	vperm.xlane v3, v0;
	_ =	sdelay $0x1  }
0x110: {  	v4 =	vadd.s32 v1, v4;
	_ =	sdelay $0x1  }
0x111: {  	v3 =	vperm.xlane v3, v2;
	_ =	sdelay $0x1  }
0x112: {  	s1 =	simm.s32 $0x6680;
	v3 =	vadd.s32 v1, v3  }
0x113: {  	[tilespmem:s1], [sflag:$0x1] =	stream.indirect_vreg.gather [hbm4b:s2+s3], $0x80, v4, vm0, $0xb8;
	[tilespmem:$0x18680] =	vst v63  }
0x114: {  	s15 =	simm.s32 $0x6E80  }
0x115: {  	[tilespmem:s15], [sflag:$0x1] =	stream.indirect_vreg.gather [hbm4b:s5+s3], $0x80, v4, vm0, $0xb8;
	[tilespmem:$0x18680] =	vst v63  }
0x116: {  	s1 =	simm.s32 $0x7680  }
0x117: {  	[tilespmem:s1], [sflag:$0x1] =	stream.indirect_vreg.gather [hbm4b:s2+s3], $0x80, v3, vm0, $0xb8;
	[tilespmem:$0x18680] =	vst v63  }
0x118: {  	s15 =	simm.s32 $0x7E80  }
0x119: {  	[tilespmem:s15], [sflag:$0x1] =	stream.indirect_vreg.gather [hbm4b:s5+s3], $0x80, v3, vm0, $0xb8;
	[tilespmem:$0x18680] =	vst v63  }
0x11a: {  	_ =	swait.ge [sflag:s24], $0x8000  }
0x11b: {  	s1 =	rddreg [dreg:$0x5];
	[sflag:s24] =	ssyncset.done $0x0  }
0x11c: {  	s15 =	simm.s32 $0x8680;
	[sflag:s24] =	ssyncadd.s32 $0xFFFF8000;
	s14 =	sadd.s32 s28, s1  }
0x11d: {  	[hbm4b:s14+s3] =	stream.linear.scatter [tilespmem:s15], [sflag:$0x5], $0x8000, $0x38;
	[tilespmem:$0x18680] =	vst v63  }
0x11e: {  	_ =	swait.ge [sflag:s25], $0x8000  }
0x11f: {  	[sflag:s25] =	ssyncset.done $0x0  }
0x120: {  	[sflag:s25] =	ssyncadd.s32 $0xFFFF8000  }
0x121: {  	v3 =	vld [tilespmem:s30+$0xFFFFFF90];
	_ =	sdelay $0x4  }
0x122: {  	v56 =	vshll.u32 v3, $0x2  }
0x123: {  	v3 =	vand.u32 $0x7, v3;
	v4 =	vand.u32 $0xFFFFFFE0, v56  }
0x124: {  	v3 =	vor.u32 v3, v4  }
0x125: {  	v4 =	vperm.xlane v3, v0;
	_ =	sdelay $0x1  }
0x126: {  	v4 =	vadd.s32 v1, v4;
	_ =	sdelay $0x1  }
0x127: {  	v3 =	vperm.xlane v3, v2;
	_ =	sdelay $0x1  }
0x128: {  	v3 =	vadd.s32 v1, v3  }
0x129: {  	[tilespmem:s15], [sflag:$0x2] =	stream.indirect_vreg.gather [hbm4b:s2+s3], $0x80, v4, vm0, $0xb8;
	[tilespmem:$0x18680] =	vst v63  }
0x12a: {  	s1 =	simm.s32 $0x8E80  }
0x12b: {  	[tilespmem:s1], [sflag:$0x2] =	stream.indirect_vreg.gather [hbm4b:s5+s3], $0x80, v4, vm0, $0xb8;
	[tilespmem:$0x18680] =	vst v63  }
0x12c: {  	s15 =	simm.s32 $0x9680  }
0x12d: {  	[tilespmem:s15], [sflag:$0x2] =	stream.indirect_vreg.gather [hbm4b:s2+s3], $0x80, v3, vm0, $0xb8;
	[tilespmem:$0x18680] =	vst v63  }
0x12e: {  	s14 =	simm.s32 $0x9E80  }
0x12f: {  	[tilespmem:s14], [sflag:$0x2] =	stream.indirect_vreg.gather [hbm4b:s5+s3], $0x80, v3, vm0, $0xb8;
	[tilespmem:$0x18680] =	vst v63  }
0x130: {  	v3 =	vld [tilespmem:s30+$0xFFFFFFA0];
	_ =	sdelay $0x4  }
0x131: {  	v57 =	vshll.u32 v3, $0x2  }
0x132: {  	v3 =	vand.u32 $0x7, v3;
	v4 =	vand.u32 $0xFFFFFFE0, v57  }
0x133: {  	v3 =	vor.u32 v3, v4  }
0x134: {  	v4 =	vperm.xlane v3, v0;
	_ =	sdelay $0x1  }
0x135: {  	v4 =	vadd.s32 v1, v4;
	_ =	sdelay $0x1  }
0x136: {  	v3 =	vperm.xlane v3, v2;
	_ =	sdelay $0x1  }
0x137: {  	s15 =	simm.s32 $0xA680;
	v3 =	vadd.s32 v1, v3  }
0x138: {  	[tilespmem:s15], [sflag:$0x2] =	stream.indirect_vreg.gather [hbm4b:s2+s3], $0x80, v4, vm0, $0xb8;
	[tilespmem:$0x18680] =	vst v63  }
0x139: {  	s14 =	simm.s32 $0xAE80  }
0x13a: {  	[tilespmem:s14], [sflag:$0x2] =	stream.indirect_vreg.gather [hbm4b:s5+s3], $0x80, v4, vm0, $0xb8;
	[tilespmem:$0x18680] =	vst v63  }
0x13b: {  	s15 =	simm.s32 $0xB680  }
0x13c: {  	[tilespmem:s15], [sflag:$0x2] =	stream.indirect_vreg.gather [hbm4b:s2+s3], $0x80, v3, vm0, $0xb8;
	[tilespmem:$0x18680] =	vst v63  }
0x13d: {  	_ = 	snop  }
0x13e: {  	[tilespmem:s18], [sflag:$0x2] =	stream.indirect_vreg.gather [hbm4b:s5+s3], $0x80, v3, vm0, $0xb8;
	[tilespmem:$0x18680] =	vst v63  }
0x13f: {  	v3 =	vld [tilespmem:s30+$0xFFFFFFB0];
	_ =	sdelay $0x4  }
0x140: {  	v58 =	vshll.u32 v3, $0x2  }
0x141: {  	v3 =	vand.u32 $0x7, v3;
	v4 =	vand.u32 $0xFFFFFFE0, v58  }
0x142: {  	v3 =	vor.u32 v3, v4  }
0x143: {  	v4 =	vperm.xlane v3, v0;
	_ =	sdelay $0x1  }
0x144: {  	v4 =	vadd.s32 v1, v4;
	_ =	sdelay $0x1  }
0x145: {  	v3 =	vperm.xlane v3, v2;
	_ =	sdelay $0x1  }
0x146: {  	v3 =	vadd.s32 v1, v3  }
0x147: {  	[tilespmem:s6], [sflag:$0x2] =	stream.indirect_vreg.gather [hbm4b:s2+s3], $0x80, v4, vm0, $0xb8;
	[tilespmem:$0x18680] =	vst v63  }
0x148: {  	_ = 	snop  }
0x149: {  	[tilespmem:s19], [sflag:$0x2] =	stream.indirect_vreg.gather [hbm4b:s5+s3], $0x80, v4, vm0, $0xb8;
	[tilespmem:$0x18680] =	vst v63  }
0x14a: {  	_ = 	snop  }
0x14b: {  	[tilespmem:s7], [sflag:$0x2] =	stream.indirect_vreg.gather [hbm4b:s2+s3], $0x80, v3, vm0, $0xb8;
	[tilespmem:$0x18680] =	vst v63  }
0x14c: {  	_ = 	snop  }
0x14d: {  	[tilespmem:s20], [sflag:$0x2] =	stream.indirect_vreg.gather [hbm4b:s5+s3], $0x80, v3, vm0, $0xb8;
	[tilespmem:$0x18680] =	vst v63  }
0x14e: {  	v3 =	vld [tilespmem:s30+$0xFFFFFFC0];
	_ =	sdelay $0x4  }
0x14f: {  	v59 =	vshll.u32 v3, $0x2  }
0x150: {  	v3 =	vand.u32 $0x7, v3;
	v4 =	vand.u32 $0xFFFFFFE0, v59  }
0x151: {  	v3 =	vor.u32 v3, v4  }
0x152: {  	v4 =	vperm.xlane v3, v0;
	_ =	sdelay $0x1  }
0x153: {  	v4 =	vadd.s32 v1, v4;
	_ =	sdelay $0x1  }
0x154: {  	v3 =	vperm.xlane v3, v2;
	_ =	sdelay $0x1  }
0x155: {  	v3 =	vadd.s32 v1, v3  }
0x156: {  	[tilespmem:s8], [sflag:$0x2] =	stream.indirect_vreg.gather [hbm4b:s2+s3], $0x80, v4, vm0, $0xb8;
	[tilespmem:$0x18680] =	vst v63  }
0x157: {  	_ = 	snop  }
0x158: {  	[tilespmem:s21], [sflag:$0x2] =	stream.indirect_vreg.gather [hbm4b:s5+s3], $0x80, v4, vm0, $0xb8;
	[tilespmem:$0x18680] =	vst v63  }
0x159: {  	_ = 	snop  }
0x15a: {  	[tilespmem:s9], [sflag:$0x2] =	stream.indirect_vreg.gather [hbm4b:s2+s3], $0x80, v3, vm0, $0xb8;
	[tilespmem:$0x18680] =	vst v63  }
0x15b: {  	_ = 	snop  }
0x15c: {  	[tilespmem:s22], [sflag:$0x2] =	stream.indirect_vreg.gather [hbm4b:s5+s3], $0x80, v3, vm0, $0xb8;
	[tilespmem:$0x18680] =	vst v63  }
0x15d: {  	_ =	swait.ge [sflag:s13], $0x8000  }
0x15e: {  	s1 =	rddreg [dreg:$0x6];
	[sflag:s13] =	ssyncset.done $0x0  }
0x15f: {  	[sflag:s13] =	ssyncadd.s32 $0xFFFF8000;
	s14 =	sadd.s32 s28, s1;
	s1 =	simm.s32 $0x10680  }
0x160: {  	[hbm4b:s14+s3] =	stream.linear.scatter [tilespmem:s1], [sflag:$0x6], $0x8000, $0x38;
	[tilespmem:$0x18680] =	vst v63  }
0x161: {  	_ =	swait.ge [sflag:s26], $0x8000  }
0x162: {  	[sflag:s26] =	ssyncset.done $0x0  }
0x163: {  	[sflag:s26] =	ssyncadd.s32 $0xFFFF8000  }
0x164: {  	v3 =	vld [tilespmem:s30+$0xFFFFFFD0];
	_ =	sdelay $0x4  }
0x165: {  	v60 =	vshll.u32 v3, $0x2  }
0x166: {  	v3 =	vand.u32 $0x7, v3;
	v4 =	vand.u32 $0xFFFFFFE0, v60  }
0x167: {  	v3 =	vor.u32 v3, v4  }
0x168: {  	v4 =	vperm.xlane v3, v0;
	_ =	sdelay $0x1  }
0x169: {  	v4 =	vadd.s32 v1, v4;
	_ =	sdelay $0x1  }
0x16a: {  	v3 =	vperm.xlane v3, v2;
	_ =	sdelay $0x1  }
0x16b: {  	v3 =	vadd.s32 v1, v3  }
0x16c: {  	[tilespmem:s1], [sflag:$0x3] =	stream.indirect_vreg.gather [hbm4b:s2+s3], $0x80, v4, vm0, $0xb8;
	[tilespmem:$0x18680] =	vst v63  }
0x16d: {  	_ = 	snop  }
0x16e: {  	[tilespmem:s10], [sflag:$0x3] =	stream.indirect_vreg.gather [hbm4b:s5+s3], $0x80, v4, vm0, $0xb8;
	[tilespmem:$0x18680] =	vst v63  }
0x16f: {  	_ = 	snop  }
0x170: {  	[tilespmem:s12], [sflag:$0x3] =	stream.indirect_vreg.gather [hbm4b:s2+s3], $0x80, v3, vm0, $0xb8;
	[tilespmem:$0x18680] =	vst v63  }
0x171: {  	_ = 	snop  }
0x172: {  	[tilespmem:s16], [sflag:$0x3] =	stream.indirect_vreg.gather [hbm4b:s5+s3], $0x80, v3, vm0, $0xb8;
	[tilespmem:$0x18680] =	vst v63  }
0x173: {  	v3 =	vld [tilespmem:s30+$0xFFFFFFE0];
	_ =	sdelay $0x4  }
0x174: {  	v61 =	vshll.u32 v3, $0x2  }
0x175: {  	v3 =	vand.u32 $0x7, v3;
	v4 =	vand.u32 $0xFFFFFFE0, v61  }
0x176: {  	v3 =	vor.u32 v3, v4  }
0x177: {  	v4 =	vperm.xlane v3, v0;
	_ =	sdelay $0x1  }
0x178: {  	v4 =	vadd.s32 v1, v4;
	_ =	sdelay $0x1  }
0x179: {  	v3 =	vperm.xlane v3, v2;
	_ =	sdelay $0x1  }
0x17a: {  	s14 =	simm.s32 $0x12680;
	v3 =	vadd.s32 v1, v3  }
0x17b: {  	[tilespmem:s14], [sflag:$0x3] =	stream.indirect_vreg.gather [hbm4b:s2+s3], $0x80, v4, vm0, $0xb8;
	[tilespmem:$0x18680] =	vst v63  }
0x17c: {  	s14 =	simm.s32 $0x12E80  }
0x17d: {  	[tilespmem:s14], [sflag:$0x3] =	stream.indirect_vreg.gather [hbm4b:s5+s3], $0x80, v4, vm0, $0xb8;
	[tilespmem:$0x18680] =	vst v63  }
0x17e: {  	s14 =	simm.s32 $0x13680  }
0x17f: {  	[tilespmem:s14], [sflag:$0x3] =	stream.indirect_vreg.gather [hbm4b:s2+s3], $0x80, v3, vm0, $0xb8;
	[tilespmem:$0x18680] =	vst v63  }
0x180: {  	s14 =	simm.s32 $0x13E80  }
0x181: {  	[tilespmem:s14], [sflag:$0x3] =	stream.indirect_vreg.gather [hbm4b:s5+s3], $0x80, v3, vm0, $0xb8;
	[tilespmem:$0x18680] =	vst v63  }
0x182: {  	v3 =	vld [tilespmem:s30+$0xFFFFFFF0];
	_ =	sdelay $0x4  }
0x183: {  	v62 =	vshll.u32 v3, $0x2  }
0x184: {  	v3 =	vand.u32 $0x7, v3;
	v4 =	vand.u32 $0xFFFFFFE0, v62  }
0x185: {  	v3 =	vor.u32 v3, v4  }
0x186: {  	v4 =	vperm.xlane v3, v0;
	_ =	sdelay $0x1  }
0x187: {  	v4 =	vadd.s32 v1, v4;
	_ =	sdelay $0x1  }
0x188: {  	v3 =	vperm.xlane v3, v2;
	_ =	sdelay $0x1  }
0x189: {  	s14 =	simm.s32 $0x14680;
	v3 =	vadd.s32 v1, v3  }
0x18a: {  	[tilespmem:s14], [sflag:$0x3] =	stream.indirect_vreg.gather [hbm4b:s2+s3], $0x80, v4, vm0, $0xb8;
	[tilespmem:$0x18680] =	vst v63  }
0x18b: {  	s14 =	simm.s32 $0x14E80  }
0x18c: {  	[tilespmem:s14], [sflag:$0x3] =	stream.indirect_vreg.gather [hbm4b:s5+s3], $0x80, v4, vm0, $0xb8;
	[tilespmem:$0x18680] =	vst v63  }
0x18d: {  	s14 =	simm.s32 $0x15680  }
0x18e: {  	[tilespmem:s14], [sflag:$0x3] =	stream.indirect_vreg.gather [hbm4b:s2+s3], $0x80, v3, vm0, $0xb8;
	[tilespmem:$0x18680] =	vst v63  }
0x18f: {  	s14 =	simm.s32 $0x15E80  }
0x190: {  	[tilespmem:s14], [sflag:$0x3] =	stream.indirect_vreg.gather [hbm4b:s5+s3], $0x80, v3, vm0, $0xb8;
	[tilespmem:$0x18680] =	vst v63  }
0x191: {  	v3 =	vld [tilespmem:s30+$0x0];
	_ =	sdelay $0x4  }
0x192: {  	v63 =	vshll.u32 v3, $0x2  }
0x193: {  	v3 =	vand.u32 $0x7, v3;
	v4 =	vand.u32 $0xFFFFFFE0, v63  }
0x194: {  	v3 =	vor.u32 v3, v4  }
0x195: {  	v4 =	vperm.xlane v3, v0;
	_ =	sdelay $0x1  }
0x196: {  	v4 =	vadd.s32 v1, v4;
	_ =	sdelay $0x2  }
0x197: {  	v3 =	vperm.xlane v3, v2;
	_ =	sdelay $0x1  }
0x198: {  	v3 =	vadd.s32 v1, v3;
	[tilespmem:s0], [sflag:$0x3] =	stream.indirect_vreg.gather [hbm4b:s2+s3], $0x80, v4, vm0, $0xb8;
	[tilespmem:$0x18680] =	vst v63  }
0x199: {  	p0 =	sne.s32 s28, $0x12000  }
0x19a: {  	[tilespmem:s17], [sflag:$0x3] =	stream.indirect_vreg.gather [hbm4b:s5+s3], $0x80, v4, vm0, $0xb8;
	[tilespmem:$0x18680] =	vst v63  }
.Ltmp0:
0x19b: {  	_ = 	snop;
	(pc) =	sbr.rel @p0 .LBB2_2-.Ltmp0, $4  }
0x19c: {  	s29 =	simm.s32 $0x8680  }
0x19d: {  	[tilespmem:s31], [sflag:$0x3] =	stream.indirect_vreg.gather [hbm4b:s2+s3], $0x80, v3, vm0, $0xb8;
	[tilespmem:$0x18680] =	vst v63  }
0x19e: {  	s15 =	simm.s32 $0x10680;
	s28 =	sadd.s32 $0x3000, s28;
	s30 =	sadd.s32 $0xC0, s30  }
0x19f: {  	[tilespmem:s4], [sflag:$0x3] =	stream.indirect_vreg.gather [hbm4b:s5+s3], $0x80, v3, vm0, $0xb8;
	[tilespmem:$0x18680] =	vst v63  }
0x1a0: {  	_ =	swait.ge [sflag:s23], $0x8000  }
0x1a1: {  	[sflag:s23] =	ssyncset.done $0x0  }
0x1a2: {  	s0 =	simm.s32 $0x680;
	s14 =	rddreg [dreg:$0x8];
	[sflag:s23] =	ssyncadd.s32 $0xFFFF8000  }
0x1a3: {  	[hbm4b:s14+s3] =	stream.linear.scatter [tilespmem:s0], [sflag:$0x4], $0x8000, $0x38;
	[tilespmem:$0x18680] =	vst v63  }
0x1a4: {  	_ =	swait.ge [sflag:s11], $0x8000  }
0x1a5: {  	[sflag:s11] =	ssyncset.done $0x0  }
0x1a6: {  	[sflag:s11] =	ssyncadd.s32 $0xFFFF8000  }
0x1a7: {  	v3 =	vld [tilespmem:$0x600];
	_ =	sdelay $0x4  }
0x1a8: {  	v4 =	vshll.u32 v3, $0x2  }
0x1a9: {  	v3 =	vand.u32 $0x7, v3;
	v4 =	vand.u32 $0xFFFFFFE0, v4  }
0x1aa: {  	v3 =	vor.u32 v3, v4  }
0x1ab: {  	v4 =	vperm.xlane v3, v0;
	_ =	sdelay $0x1  }
0x1ac: {  	v4 =	vadd.s32 v1, v4;
	_ =	sdelay $0x1  }
0x1ad: {  	v3 =	vperm.xlane v3, v2;
	_ =	sdelay $0x1  }
0x1ae: {  	v3 =	vadd.s32 v1, v3  }
0x1af: {  	[tilespmem:s0], [sflag:$0x1] =	stream.indirect_vreg.gather [hbm4b:s2+s3], $0x80, v4, vm0, $0xb8;
	[tilespmem:$0x18680] =	vst v63  }
0x1b0: {  	s18 =	simm.s32 $0xE80  }
0x1b1: {  	[tilespmem:s18], [sflag:$0x1] =	stream.indirect_vreg.gather [hbm4b:s5+s3], $0x80, v4, vm0, $0xb8;
	[tilespmem:$0x18680] =	vst v63  }
0x1b2: {  	s19 =	simm.s32 $0x1680  }
0x1b3: {  	[tilespmem:s19], [sflag:$0x1] =	stream.indirect_vreg.gather [hbm4b:s2+s3], $0x80, v3, vm0, $0xb8;
	[tilespmem:$0x18680] =	vst v63  }
0x1b4: {  	s20 =	simm.s32 $0x1E80  }
0x1b5: {  	[tilespmem:s20], [sflag:$0x1] =	stream.indirect_vreg.gather [hbm4b:s5+s3], $0x80, v3, vm0, $0xb8;
	[tilespmem:$0x18680] =	vst v63  }
0x1b6: {  	v3 =	vld [tilespmem:$0x610];
	_ =	sdelay $0x4  }
0x1b7: {  	v61 =	vshll.u32 v3, $0x2  }
0x1b8: {  	v3 =	vand.u32 $0x7, v3;
	v4 =	vand.u32 $0xFFFFFFE0, v61  }
0x1b9: {  	v3 =	vor.u32 v3, v4  }
0x1ba: {  	v4 =	vperm.xlane v3, v0;
	_ =	sdelay $0x1  }
0x1bb: {  	v4 =	vadd.s32 v1, v4;
	_ =	sdelay $0x1  }
0x1bc: {  	v3 =	vperm.xlane v3, v2;
	_ =	sdelay $0x1  }
0x1bd: {  	s21 =	simm.s32 $0x2680;
	v3 =	vadd.s32 v1, v3  }
0x1be: {  	[tilespmem:s21], [sflag:$0x1] =	stream.indirect_vreg.gather [hbm4b:s2+s3], $0x80, v4, vm0, $0xb8;
	[tilespmem:$0x18680] =	vst v63  }
0x1bf: {  	s22 =	simm.s32 $0x2E80  }
0x1c0: {  	[tilespmem:s22], [sflag:$0x1] =	stream.indirect_vreg.gather [hbm4b:s5+s3], $0x80, v4, vm0, $0xb8;
	[tilespmem:$0x18680] =	vst v63  }
0x1c1: {  	s1 =	simm.s32 $0x3680  }
0x1c2: {  	[tilespmem:s1], [sflag:$0x1] =	stream.indirect_vreg.gather [hbm4b:s2+s3], $0x80, v3, vm0, $0xb8;
	[tilespmem:$0x18680] =	vst v63  }
0x1c3: {  	s4 =	simm.s32 $0x3E80  }
0x1c4: {  	[tilespmem:s4], [sflag:$0x1] =	stream.indirect_vreg.gather [hbm4b:s5+s3], $0x80, v3, vm0, $0xb8;
	[tilespmem:$0x18680] =	vst v63  }
0x1c5: {  	v3 =	vld [tilespmem:$0x620];
	_ =	sdelay $0x4  }
0x1c6: {  	v62 =	vshll.u32 v3, $0x2  }
0x1c7: {  	v3 =	vand.u32 $0x7, v3;
	v4 =	vand.u32 $0xFFFFFFE0, v62  }
0x1c8: {  	v3 =	vor.u32 v3, v4  }
0x1c9: {  	v4 =	vperm.xlane v3, v0;
	_ =	sdelay $0x1  }
0x1ca: {  	v4 =	vadd.s32 v1, v4;
	_ =	sdelay $0x1  }
0x1cb: {  	v3 =	vperm.xlane v3, v2;
	_ =	sdelay $0x1  }
0x1cc: {  	s6 =	simm.s32 $0x4680;
	v3 =	vadd.s32 v1, v3  }
0x1cd: {  	[tilespmem:s6], [sflag:$0x1] =	stream.indirect_vreg.gather [hbm4b:s2+s3], $0x80, v4, vm0, $0xb8;
	[tilespmem:$0x18680] =	vst v63  }
0x1ce: {  	s7 =	simm.s32 $0x4E80  }
0x1cf: {  	[tilespmem:s7], [sflag:$0x1] =	stream.indirect_vreg.gather [hbm4b:s5+s3], $0x80, v4, vm0, $0xb8;
	[tilespmem:$0x18680] =	vst v63  }
0x1d0: {  	s8 =	simm.s32 $0x5680  }
0x1d1: {  	[tilespmem:s8], [sflag:$0x1] =	stream.indirect_vreg.gather [hbm4b:s2+s3], $0x80, v3, vm0, $0xb8;
	[tilespmem:$0x18680] =	vst v63  }
0x1d2: {  	s9 =	simm.s32 $0x5E80  }
0x1d3: {  	[tilespmem:s9], [sflag:$0x1] =	stream.indirect_vreg.gather [hbm4b:s5+s3], $0x80, v3, vm0, $0xb8;
	[tilespmem:$0x18680] =	vst v63  }
0x1d4: {  	v3 =	vld [tilespmem:$0x630];
	_ =	sdelay $0x4  }
0x1d5: {  	v63 =	vshll.u32 v3, $0x2  }
0x1d6: {  	v3 =	vand.u32 $0x7, v3;
	v4 =	vand.u32 $0xFFFFFFE0, v63  }
0x1d7: {  	v3 =	vor.u32 v3, v4  }
0x1d8: {  	v4 =	vperm.xlane v3, v0;
	_ =	sdelay $0x1  }
0x1d9: {  	v4 =	vadd.s32 v1, v4;
	_ =	sdelay $0x1  }
0x1da: {  	v3 =	vperm.xlane v3, v2;
	_ =	sdelay $0x1  }
0x1db: {  	s10 =	simm.s32 $0x6680;
	v3 =	vadd.s32 v1, v3  }
0x1dc: {  	[tilespmem:s10], [sflag:$0x1] =	stream.indirect_vreg.gather [hbm4b:s2+s3], $0x80, v4, vm0, $0xb8;
	[tilespmem:$0x18680] =	vst v63  }
0x1dd: {  	s12 =	simm.s32 $0x6E80  }
0x1de: {  	[tilespmem:s12], [sflag:$0x1] =	stream.indirect_vreg.gather [hbm4b:s5+s3], $0x80, v4, vm0, $0xb8;
	[tilespmem:$0x18680] =	vst v63  }
0x1df: {  	s16 =	simm.s32 $0x7680  }
0x1e0: {  	[tilespmem:s16], [sflag:$0x1] =	stream.indirect_vreg.gather [hbm4b:s2+s3], $0x80, v3, vm0, $0xb8;
	[tilespmem:$0x18680] =	vst v63  }
0x1e1: {  	s17 =	simm.s32 $0x7E80  }
0x1e2: {  	[tilespmem:s17], [sflag:$0x1] =	stream.indirect_vreg.gather [hbm4b:s5+s3], $0x80, v3, vm0, $0xb8;
	[tilespmem:$0x18680] =	vst v63  }
0x1e3: {  	_ =	swait.ge [sflag:s24], $0x8000  }
0x1e4: {  	[sflag:s24] =	ssyncset.done $0x0  }
0x1e5: {  	s18 =	rddreg [dreg:$0x9];
	[sflag:s24] =	ssyncadd.s32 $0xFFFF8000  }
0x1e6: {  	[hbm4b:s18+s3] =	stream.linear.scatter [tilespmem:s29], [sflag:$0x5], $0x8000, $0x38;
	[tilespmem:$0x18680] =	vst v63  }
0x1e7: {  	_ =	swait.ge [sflag:s25], $0x8000  }
0x1e8: {  	[sflag:s25] =	ssyncset.done $0x0  }
0x1e9: {  	[sflag:s25] =	ssyncadd.s32 $0xFFFF8000  }
0x1ea: {  	_ =	swait.ge [sflag:s13], $0x8000  }
0x1eb: {  	[sflag:s13] =	ssyncset.done $0x0  }
0x1ec: {  	s19 =	rddreg [dreg:$0xa];
	[sflag:s13] =	ssyncadd.s32 $0xFFFF8000  }
0x1ed: {  	[hbm4b:s19+s3] =	stream.linear.scatter [tilespmem:s15], [sflag:$0x6], $0x8000, $0x38;
	[tilespmem:$0x18680] =	vst v63  }
0x1ee: {  	_ =	swait.ge [sflag:s26], $0x8000  }
0x1ef: {  	[sflag:s26] =	ssyncset.done $0x0  }
0x1f0: {  	[sflag:s26] =	ssyncadd.s32 $0xFFFF8000  }
0x1f1: {  	_ =	swait.ge [sflag:s23], $0x8000  }
0x1f2: {  	[sflag:s23] =	ssyncset.done $0x0  }
0x1f3: {  	s30 =	simm.s32 $0x680;
	s20 =	rddreg [dreg:$0xb];
	[sflag:s23] =	ssyncadd.s32 $0xFFFF8000  }
0x1f4: {  	[hbm4b:s20+s3] =	stream.linear.scatter [tilespmem:s0], [sflag:$0x4], $0x8000, $0x38;
	[tilespmem:$0x18680] =	vst v63  }
0x1f5: {  	s28 =	simm.s32 $0x8E80;
	s31 =	simm.s32 $0x11E80;
	_ =	swait.ge [sflag:s11], $0x8000  }
0x1f6: {  	s1 =	simm.s32 $0x9680;
	s4 =	simm.s32 $0xB680;
	s21 =	rddreg [dreg:$0xd]  }
0x1f7: {  	s6 =	simm.s32 $0xC680;
	s22 =	rddreg [dreg:$0xc];
	s0 =	sadd.s32 $0x1, s21  }
0x1f8: {  	s7 =	simm.s32 $0xD680;
	s8 =	simm.s32 $0xE680;
	p0 =	sne.s32 s0, s22  }
.Ltmp1:
0x1f9: {  	s9 =	simm.s32 $0xF680;
	s10 =	simm.s32 $0x10E80;
	(pc) =	sbr.rel @p0 .LBB2_1-.Ltmp1, $4  }
0x1fa: {  	s12 =	simm.s32 $0x11680;
	s16 =	simm.s32 $0x9E80;
	s17 =	simm.s32 $0xAE80  }
0x1fb: {  	s18 =	simm.s32 $0xBE80;
	s19 =	simm.s32 $0xCE80;
	[sflag:s11] =	ssyncset.done $0x0  }
0x1fc: {  	s20 =	simm.s32 $0xDE80;
	[sflag:s11] =	ssyncadd.s32 $0xFFFF8000;
	s21 =	simm.s32 $0xEE80  }
0x1fd: {  	[dreg:$0xd] =	wrdreg s0;
	s0 =	simm.s32 $0xA680;
	s22 =	simm.s32 $0xFE80  }
0x1fe: {  	_ =	sfence.sel $0x180000  }
0x1ff: {  	[bflag:$0x0] =	sbarrier.arrive $0xFFFF  }
0x200: {  	_ =	strace $0x90000047  }
0x201: {  	s0 =	stileid.u32;
	[bflag:$0x2] =	sbarrier.arrive $0xFFFF  }
0x202: {  	p0 =	sne.s32 s0, $0x0;
	s0 =	rddreg [dreg:$0x3]  }
0x203: {  	s0 =	sadd.s32 @!p0 $0x100000, s0  }
0x204: {  	[sflag:s0] =	ssyncadd.tile.s32 @!p0 $0x1;
	_ =	shalt  }
.Lfunc_end2:
_tile_overlayer_lowered:
.L_overlay_start_2:
0x205: {  	(tag) =	ssettag $0x2  }
0x206: {  	s0 =	rddreg [dreg:$0x0];
	s2 =	stileid.u32  }
0x207: {  	s1 =	rddreg [dreg:$0x1];
	p0 =	sne.s32 s2, $0x0  }
0x208: {  	s3 =	rddreg [dreg:$0x2];
	[bflag:$0x3] =	sbarrier.arrive $0xFFFF;
	s2 =	simm.s32 @!p0 $0x1C07  }
0x209: {  	[timem:s3], [sflag:s2] =	dma.local @!p0 [hbm:s0], s1  }
0x20a: {  	s0 =	simm.s32 @!p0 $0x7  }
0x20b: {  	_ =	swait.ge @!p0 [sflag:s0], s1  }
0x20c: {  	s1 =	ssub.s32 @!p0 $0x0, s1;
	[sflag:s0] =	ssyncset.done @!p0 $0x0  }
0x20d: {  	[sflag:s0] =	ssyncadd.s32 @!p0 s1  }
0x20e: {  	[bflag:$0x3] =	sbarrier.arrive $0xFFFF  }
0x20f: {  	_ =	shalt  }

</sc_bundles>
